<compile_context>
chip_gen: v7x
topology: tpu7x:2x2x1
jax: 0.10.2.dev20260603
libtpu: 0.0.44.dev20260713+nightly
codegen_flags: <defaults>
</compile_context>

<pallas_src>
import functools

import jax
import jax.numpy as jnp
from jax import lax
from jax.experimental import pallas as pl
from jax.experimental.pallas import tpu as pltpu
from jax.experimental.pallas import tpu_sc as plsc

BUCKET = 100000
EMBED = 128
HIST = 200
BATCH = 4096

NUM_CORES = 2
NUM_SUBCORES = 16
LANES = 16
NW = NUM_CORES * NUM_SUBCORES
BPW = BATCH // NW
IDX_PER_W = BPW * HIST
VECS = EMBED // LANES
CHUNK0 = 128
CHUNK1 = HIST - CHUNK0


def _fire(w_hbm, idx_v, rows, sem, b):
    off = b * HIST
    pltpu.async_copy(w_hbm.at[idx_v.at[pl.ds(off, CHUNK0)]],
                     rows.at[pl.ds(0, CHUNK0)], sem)
    pltpu.async_copy(w_hbm.at[idx_v.at[pl.ds(off + CHUNK0, CHUNK1)]],
                     rows.at[pl.ds(CHUNK0, CHUNK1)], sem)


def _drain(w_hbm, rows, sem):
    pltpu.make_async_copy(w_hbm.at[pl.ds(0, HIST)], rows, sem).wait()


def _accum_row(rows, b, out_v):
    def step(j, acc):
        return tuple(acc[k] + rows[j, pl.ds(k * LANES, LANES)]
                     for k in range(VECS))

    zero = jnp.zeros((LANES,), jnp.float32)
    acc = lax.fori_loop(0, HIST, step, (zero,) * VECS)
    for k in range(VECS):
        out_v[b, pl.ds(k * LANES, LANES)] = acc[k]


def _body(x_hbm, w_hbm, out_hbm, idx_v, rows0, rows1, out_v, sem0, sem1):
    wid = lax.axis_index("s") * NUM_CORES + lax.axis_index("c")
    base = wid * BPW

    pltpu.sync_copy(x_hbm.at[pl.ds(wid * IDX_PER_W, IDX_PER_W)], idx_v)

    def hash_step(i, carry):
        v = idx_v[pl.ds(i * LANES, LANES)]
        idx_v[pl.ds(i * LANES, LANES)] = lax.rem(v, BUCKET)
        return carry

    lax.fori_loop(0, IDX_PER_W // LANES, hash_step, 0)

    _fire(w_hbm, idx_v, rows0, sem0, 0)

    @pl.loop(0, BPW, step=2)
    def row_loop(b):
        _fire(w_hbm, idx_v, rows1, sem1, b + 1)
        _drain(w_hbm, rows0, sem0)
        _accum_row(rows0, b, out_v)

        @pl.when(b + 2 < BPW)
        def _():
            _fire(w_hbm, idx_v, rows0, sem0, b + 2)

        _drain(w_hbm, rows1, sem1)
        _accum_row(rows1, b + 1, out_v)

    pltpu.sync_copy(out_v, out_hbm.at[pl.ds(base, BPW)])


@jax.jit
def kernel(x, weight):
    mesh = plsc.VectorSubcoreMesh(core_axis_name="c", subcore_axis_name="s",
                                  num_cores=NUM_CORES,
                                  num_subcores=NUM_SUBCORES)
    run = pl.kernel(
        _body,
        out_type=jax.ShapeDtypeStruct((BATCH, EMBED), jnp.float32),
        mesh=mesh,
        scratch_types=[
            pltpu.VMEM((IDX_PER_W,), jnp.int32),
            pltpu.VMEM((HIST, EMBED), jnp.float32),
            pltpu.VMEM((HIST, EMBED), jnp.float32),
            pltpu.VMEM((BPW, EMBED), jnp.float32),
            pltpu.SemaphoreType.DMA,
            pltpu.SemaphoreType.DMA,
        ],
    )
    return run(x.reshape(BATCH * HIST), weight)

# --- scband reference (transcript-rebuilt; emitter-appended) ---
"""Pipeline reference for scband-hash-embedding-16432544874939 (READ-ONLY COPY).

The authoritative reference and input builder live on the scoring server;
editing this copy changes nothing except your own understanding.
"""

import jax, jax.numpy as jnp
import numpy as np

BUCKET_SIZE = 100000
EMBED_DIM = 128
BATCH = 4096
HIST_LEN = 200


def setup_inputs(seed: int = 0) -> dict:
    key = jax.random.key(seed)
    k1, k2 = jax.random.split(key)
    # raw (unhashed) ids; hash is applied inside reference (modular hash, which is
    # the jax-traceable stand-in for the per-element hash_func in the torch module)
    x = jax.random.randint(k1, (BATCH, HIST_LEN), 0, 2147483647, dtype=jnp.int32)
    # embedding table parameter, sized per init_kwargs
    weight = jax.random.normal(k2, (BUCKET_SIZE, EMBED_DIM), dtype=jnp.float32)
    return {"x": x, "weight": weight}


def reference(x, weight):
    # x.map_(x, hash_func): per-element hash into [0, bucket_size)
    idx = jnp.mod(x, BUCKET_SIZE)
    # self.embedding(out): gather rows -> [B, L, D]
    emb = jnp.take(weight, idx, axis=0)
    # out.sum(dim=1): pool over the sequence dimension -> [B, D]
    return emb.sum(axis=1)

if __name__ == "__main__":
    import jax
    _d = setup_inputs()
    print(jax.jit(kernel)(*tuple(_d.values())))

</pallas_src>

<mosaic_0001>
#map = affine_map<(d0, d1) -> (0)>
#map1 = affine_map<(d0, d1) -> (0, 0)>
module attributes {stable_mosaic.version = 14 : i64} {
  func.func @_body(%arg0: i32, %arg1: i32, %arg2: memref<819200xi32, #tpu.memory_space<hbm>>, %arg3: memref<100000x128xf32, #tpu.memory_space<hbm>>, %arg4: memref<4096x128xf32, #tpu.memory_space<hbm>>, %arg5: memref<25600xi32, #tpu.memory_space<vmem>>, %arg6: memref<200x128xf32, #tpu.memory_space<vmem>>, %arg7: memref<200x128xf32, #tpu.memory_space<vmem>>, %arg8: memref<128x128xf32, #tpu.memory_space<vmem>>, %arg9: memref<!tpu.dma_semaphore, #tpu.memory_space<semaphore_mem>>, %arg10: memref<!tpu.dma_semaphore, #tpu.memory_space<semaphore_mem>>) attributes {dimension_semantics = [#tpu.dimension_semantics<core_parallel>, #tpu.dimension_semantics<subcore_parallel>], iteration_bounds = array<i64: 2, 16>, scalar_prefetch = 0 : i64, scratch_operands = 6 : i64, tpu.core_type = #tpu.core_type<sc_vector_subcore>, window_params = [{transform_indices = #map}, {transform_indices = #map1}, {transform_indices = #map1}]} {
    %mul3A = arith.constant 2 : i32
    %mul3A_0 = arith.muli %arg1, %mul3A : i32
    %add3A = arith.addi %mul3A_0, %arg0 : i32
    %mul3A_1 = arith.constant 128 : i32
    %mul3A_2 = arith.muli %add3A, %mul3A_1 : i32
    %mul3A_3 = arith.constant 25600 : i32
    %mul3A_4 = arith.muli %add3A, %mul3A_3 : i32
    "tpu.region"() ({
      %run_scoped3A = tpu.sem_alloc : memref<!tpu.dma_semaphore, #tpu.memory_space<semaphore_mem>>
      %dma_start3A_30 = tpu.memref_slice %arg2[%mul3A_4] : memref<819200xi32, #tpu.memory_space<hbm>> -> memref<25600xi32, #tpu.memory_space<hbm>>
      %dma_start3A_31 = tpu.memref_slice %arg2[%mul3A_4] : memref<819200xi32, #tpu.memory_space<hbm>> -> memref<25600xi32, #tpu.memory_space<hbm>>
      tpu.enqueue_dma source(%dma_start3A_31 : memref<25600xi32, #tpu.memory_space<hbm>>) target(%arg5 : memref<25600xi32, #tpu.memory_space<vmem>>) target_semaphore(%run_scoped3A : memref<!tpu.dma_semaphore, #tpu.memory_space<semaphore_mem>>)
      %dma_wait3A = tpu.memref_slice %arg2[%mul3A_4] : memref<819200xi32, #tpu.memory_space<hbm>> -> memref<25600xi32, #tpu.memory_space<hbm>>
      %dma_wait3A_32 = tpu.memref_slice %arg2[%mul3A_4] : memref<819200xi32, #tpu.memory_space<hbm>> -> memref<25600xi32, #tpu.memory_space<hbm>>
      tpu.wait_dma2 semaphore(%run_scoped3A : memref<!tpu.dma_semaphore, #tpu.memory_space<semaphore_mem>>) src(%dma_wait3A_32 : memref<25600xi32, #tpu.memory_space<hbm>>) dst(%arg5 : memref<25600xi32, #tpu.memory_space<vmem>>)
      tpu.yield
    }) : () -> ()
    %scan3A = arith.constant 0 : i32
    %scan3A_5 = arith.constant 0 : i32
    %scan3A_6 = arith.constant 1600 : i32
    %scan3A_7 = arith.addi %scan3A_5, %scan3A_6 : i32
    %scan3A_8 = arith.constant 1 : i32
    scf.for %scan3A_30 = %scan3A_5 to %scan3A_7 step %scan3A_8  : i32 {
      %mul3A_31 = arith.constant 16 : i32
      %mul3A_32 = arith.muli %scan3A_30, %mul3A_31 : i32
      %get3A = arith.index_cast %mul3A_32 : i32 to index
      %get3A_33 = tpu.vector_load %arg5[%get3A] {strides = array<i32>} : memref<25600xi32, #tpu.memory_space<vmem>>, vector<16xi32>,
      %get3A_34 = vector.shape_cast %get3A_33 : vector<16xi32> to vector<16xi32>
      %rem3A = arith.constant 100000 : i32
      %rem3A_35 = vector.broadcast %rem3A : i32 to vector<16xi32>
      %rem3A_36 = arith.remsi %get3A_34, %rem3A_35 : vector<16xi32>
      %mul3A_37 = arith.constant 16 : i32
      %mul3A_38 = arith.muli %scan3A_30, %mul3A_37 : i32
      %swap3A = arith.index_cast %mul3A_38 : i32 to index
      %swap3A_39 = tpu.vector_load %arg5[%swap3A] {strides = array<i32>} : memref<25600xi32, #tpu.memory_space<vmem>>, vector<16xi32>,
      %swap3A_40 = vector.shape_cast %swap3A_39 : vector<16xi32> to vector<16xi32>
      %swap3A_41 = vector.shape_cast %rem3A_36 : vector<16xi32> to vector<16xi32>
      tpu.vector_store %arg5[%swap3A], %swap3A_41 {strides = array<i32>} : memref<25600xi32, #tpu.memory_space<vmem>>, vector<16xi32>,
    }
    %scan3A_9 = arith.constant 1600 : i32
    %dma_start3A = arith.constant 0 : i32
    %dma_start3A_10 = arith.constant 0 : i32
    %dma_start3A_11 = tpu.memref_slice %arg6[%dma_start3A, %dma_start3A_10] : memref<200x128xf32, #tpu.memory_space<vmem>> -> memref<128x128xf32, #tpu.memory_space<vmem>>
    %dma_start3A_12 = arith.constant 0 : i32
    %dma_start3A_13 = tpu.memref_slice %arg5[%dma_start3A_12] : memref<25600xi32, #tpu.memory_space<vmem>> -> memref<128xi32, #tpu.memory_space<vmem>>
    %dma_start3A_14 = arith.constant 0 : i32
    %dma_start3A_15 = arith.constant 0 : i32
    %dma_start3A_16 = tpu.memref_slice %arg3[%dma_start3A_14, %dma_start3A_15] : memref<100000x128xf32, #tpu.memory_space<hbm>> -> memref<100000x128xf32, #tpu.memory_space<hbm>>
    tpu.enqueue_indirect_dma source(%dma_start3A_16 : memref<100000x128xf32, #tpu.memory_space<hbm>>) target(%dma_start3A_11 : memref<128x128xf32, #tpu.memory_space<vmem>>) offsets(%dma_start3A_13 : memref<128xi32, #tpu.memory_space<vmem>>) semaphore(%arg9 : memref<!tpu.dma_semaphore, #tpu.memory_space<semaphore_mem>>)
    %dma_start3A_17 = arith.constant 128 : i32
    %dma_start3A_18 = arith.constant 0 : i32
    %dma_start3A_19 = tpu.memref_slice %arg6[%dma_start3A_17, %dma_start3A_18] : memref<200x128xf32, #tpu.memory_space<vmem>> -> memref<72x128xf32, #tpu.memory_space<vmem>>
    %dma_start3A_20 = arith.constant 128 : i32
    %dma_start3A_21 = tpu.memref_slice %arg5[%dma_start3A_20] : memref<25600xi32, #tpu.memory_space<vmem>> -> memref<72xi32, #tpu.memory_space<vmem>>
    %dma_start3A_22 = arith.constant 0 : i32
    %dma_start3A_23 = arith.constant 0 : i32
    %dma_start3A_24 = tpu.memref_slice %arg3[%dma_start3A_22, %dma_start3A_23] : memref<100000x128xf32, #tpu.memory_space<hbm>> -> memref<100000x128xf32, #tpu.memory_space<hbm>>
    tpu.enqueue_indirect_dma source(%dma_start3A_24 : memref<100000x128xf32, #tpu.memory_space<hbm>>) target(%dma_start3A_19 : memref<72x128xf32, #tpu.memory_space<vmem>>) offsets(%dma_start3A_21 : memref<72xi32, #tpu.memory_space<vmem>>) semaphore(%arg9 : memref<!tpu.dma_semaphore, #tpu.memory_space<semaphore_mem>>)
    %scan3A_25 = arith.constant 0 : i32
    %scan3A_26 = arith.constant 64 : i32
    %scan3A_27 = arith.addi %scan3A_25, %scan3A_26 : i32
    %scan3A_28 = arith.constant 1 : i32
    scf.for %scan3A_30 = %scan3A_25 to %scan3A_27 step %scan3A_28  : i32 {
      %mul3A_31 = arith.constant 2 : i32
      %mul3A_32 = arith.muli %scan3A_30, %mul3A_31 : i32
      %add3A_33 = arith.constant 0 : i32
      %add3A_34 = arith.addi %add3A_33, %mul3A_32 : i32
      %add3A_35 = arith.constant 1 : i32
      %add3A_36 = arith.addi %add3A_34, %add3A_35 : i32
      %mul3A_37 = arith.constant 200 : i32
      %mul3A_38 = arith.muli %add3A_36, %mul3A_37 : i32
      %dma_start3A_39 = arith.constant 0 : i32
      %dma_start3A_40 = arith.constant 0 : i32
      %dma_start3A_41 = tpu.memref_slice %arg7[%dma_start3A_39, %dma_start3A_40] : memref<200x128xf32, #tpu.memory_space<vmem>> -> memref<128x128xf32, #tpu.memory_space<vmem>>
      %dma_start3A_42 = tpu.memref_slice %arg5[%mul3A_38] : memref<25600xi32, #tpu.memory_space<vmem>> -> memref<128xi32, #tpu.memory_space<vmem>>
      %dma_start3A_43 = arith.constant 0 : i32
      %dma_start3A_44 = arith.constant 0 : i32
      %dma_start3A_45 = tpu.memref_slice %arg3[%dma_start3A_43, %dma_start3A_44] : memref<100000x128xf32, #tpu.memory_space<hbm>> -> memref<100000x128xf32, #tpu.memory_space<hbm>>
      tpu.enqueue_indirect_dma source(%dma_start3A_45 : memref<100000x128xf32, #tpu.memory_space<hbm>>) target(%dma_start3A_41 : memref<128x128xf32, #tpu.memory_space<vmem>>) offsets(%dma_start3A_42 : memref<128xi32, #tpu.memory_space<vmem>>) semaphore(%arg10 : memref<!tpu.dma_semaphore, #tpu.memory_space<semaphore_mem>>)
      %add3A_46 = arith.constant 128 : i32
      %add3A_47 = arith.addi %mul3A_38, %add3A_46 : i32
      %dma_start3A_48 = arith.constant 128 : i32
      %dma_start3A_49 = arith.constant 0 : i32
      %dma_start3A_50 = tpu.memref_slice %arg7[%dma_start3A_48, %dma_start3A_49] : memref<200x128xf32, #tpu.memory_space<vmem>> -> memref<72x128xf32, #tpu.memory_space<vmem>>
      %dma_start3A_51 = tpu.memref_slice %arg5[%add3A_47] : memref<25600xi32, #tpu.memory_space<vmem>> -> memref<72xi32, #tpu.memory_space<vmem>>
      %dma_start3A_52 = arith.constant 0 : i32
      %dma_start3A_53 = arith.constant 0 : i32
      %dma_start3A_54 = tpu.memref_slice %arg3[%dma_start3A_52, %dma_start3A_53] : memref<100000x128xf32, #tpu.memory_space<hbm>> -> memref<100000x128xf32, #tpu.memory_space<hbm>>
      tpu.enqueue_indirect_dma source(%dma_start3A_54 : memref<100000x128xf32, #tpu.memory_space<hbm>>) target(%dma_start3A_50 : memref<72x128xf32, #tpu.memory_space<vmem>>) offsets(%dma_start3A_51 : memref<72xi32, #tpu.memory_space<vmem>>) semaphore(%arg10 : memref<!tpu.dma_semaphore, #tpu.memory_space<semaphore_mem>>)
      %dma_wait3A = arith.constant 0 : i32
      %dma_wait3A_55 = arith.constant 0 : i32
      %dma_wait3A_56 = tpu.memref_slice %arg3[%dma_wait3A, %dma_wait3A_55] : memref<100000x128xf32, #tpu.memory_space<hbm>> -> memref<200x128xf32, #tpu.memory_space<hbm>>
      %dma_wait3A_57 = arith.constant 0 : i32
      %dma_wait3A_58 = arith.constant 0 : i32
      %dma_wait3A_59 = tpu.memref_slice %arg3[%dma_wait3A_57, %dma_wait3A_58] : memref<100000x128xf32, #tpu.memory_space<hbm>> -> memref<200x128xf32, #tpu.memory_space<hbm>>
      tpu.wait_dma2 semaphore(%arg9 : memref<!tpu.dma_semaphore, #tpu.memory_space<semaphore_mem>>) src(%dma_wait3A_59 : memref<200x128xf32, #tpu.memory_space<hbm>>) dst(%arg6 : memref<200x128xf32, #tpu.memory_space<vmem>>)
      %broadcast_in_dim3A = arith.constant 0.000000e+00 : f32
      %broadcast_in_dim3A_60 = vector.broadcast %broadcast_in_dim3A : f32 to vector<16xf32>
      %scan3A_61 = arith.constant 0 : i32
      %scan3A_62 = arith.constant 200 : i32
      %scan3A_63 = arith.addi %scan3A_61, %scan3A_62 : i32
      %scan3A_64 = arith.constant 1 : i32
      %scan3A_65:8 = scf.for %scan3A_166 = %scan3A_61 to %scan3A_63 step %scan3A_64 iter_args(%scan3A_167 = %broadcast_in_dim3A_60, %scan3A_168 = %broadcast_in_dim3A_60, %scan3A_169 = %broadcast_in_dim3A_60, %scan3A_170 = %broadcast_in_dim3A_60, %scan3A_171 = %broadcast_in_dim3A_60, %scan3A_172 = %broadcast_in_dim3A_60, %scan3A_173 = %broadcast_in_dim3A_60, %scan3A_174 = %broadcast_in_dim3A_60) -> (vector<16xf32>, vector<16xf32>, vector<16xf32>, vector<16xf32>, vector<16xf32>, vector<16xf32>, vector<16xf32>, vector<16xf32>)  : i32 {
        %get3A = arith.index_cast %scan3A_166 : i32 to index
        %get3A_175 = arith.constant 0 : index
        %get3A_176 = tpu.vector_load %arg6[%get3A, %get3A_175] {strides = array<i32>} : memref<200x128xf32, #tpu.memory_space<vmem>>, vector<1x16xf32>,
        %get3A_177 = vector.shape_cast %get3A_176 : vector<1x16xf32> to vector<16xf32>
        %add3A_178 = arith.addf %scan3A_167, %get3A_177 : vector<16xf32>
        %get3A_179 = arith.index_cast %scan3A_166 : i32 to index
        %get3A_180 = arith.constant 16 : index
        %get3A_181 = tpu.vector_load %arg6[%get3A_179, %get3A_180] {strides = array<i32>} : memref<200x128xf32, #tpu.memory_space<vmem>>, vector<1x16xf32>,
        %get3A_182 = vector.shape_cast %get3A_181 : vector<1x16xf32> to vector<16xf32>
        %add3A_183 = arith.addf %scan3A_168, %get3A_182 : vector<16xf32>
        %get3A_184 = arith.index_cast %scan3A_166 : i32 to index
        %get3A_185 = arith.constant 32 : index
        %get3A_186 = tpu.vector_load %arg6[%get3A_184, %get3A_185] {strides = array<i32>} : memref<200x128xf32, #tpu.memory_space<vmem>>, vector<1x16xf32>,
        %get3A_187 = vector.shape_cast %get3A_186 : vector<1x16xf32> to vector<16xf32>
        %add3A_188 = arith.addf %scan3A_169, %get3A_187 : vector<16xf32>
        %get3A_189 = arith.index_cast %scan3A_166 : i32 to index
        %get3A_190 = arith.constant 48 : index
        %get3A_191 = tpu.vector_load %arg6[%get3A_189, %get3A_190] {strides = array<i32>} : memref<200x128xf32, #tpu.memory_space<vmem>>, vector<1x16xf32>,
        %get3A_192 = vector.shape_cast %get3A_191 : vector<1x16xf32> to vector<16xf32>
        %add3A_193 = arith.addf %scan3A_170, %get3A_192 : vector<16xf32>
        %get3A_194 = arith.index_cast %scan3A_166 : i32 to index
        %get3A_195 = arith.constant 64 : index
        %get3A_196 = tpu.vector_load %arg6[%get3A_194, %get3A_195] {strides = array<i32>} : memref<200x128xf32, #tpu.memory_space<vmem>>, vector<1x16xf32>,
        %get3A_197 = vector.shape_cast %get3A_196 : vector<1x16xf32> to vector<16xf32>
        %add3A_198 = arith.addf %scan3A_171, %get3A_197 : vector<16xf32>
        %get3A_199 = arith.index_cast %scan3A_166 : i32 to index
        %get3A_200 = arith.constant 80 : index
        %get3A_201 = tpu.vector_load %arg6[%get3A_199, %get3A_200] {strides = array<i32>} : memref<200x128xf32, #tpu.memory_space<vmem>>, vector<1x16xf32>,
        %get3A_202 = vector.shape_cast %get3A_201 : vector<1x16xf32> to vector<16xf32>
        %add3A_203 = arith.addf %scan3A_172, %get3A_202 : vector<16xf32>
        %get3A_204 = arith.index_cast %scan3A_166 : i32 to index
        %get3A_205 = arith.constant 96 : index
        %get3A_206 = tpu.vector_load %arg6[%get3A_204, %get3A_205] {strides = array<i32>} : memref<200x128xf32, #tpu.memory_space<vmem>>, vector<1x16xf32>,
        %get3A_207 = vector.shape_cast %get3A_206 : vector<1x16xf32> to vector<16xf32>
        %add3A_208 = arith.addf %scan3A_173, %get3A_207 : vector<16xf32>
        %get3A_209 = arith.index_cast %scan3A_166 : i32 to index
        %get3A_210 = arith.constant 112 : index
        %get3A_211 = tpu.vector_load %arg6[%get3A_209, %get3A_210] {strides = array<i32>} : memref<200x128xf32, #tpu.memory_space<vmem>>, vector<1x16xf32>,
        %get3A_212 = vector.shape_cast %get3A_211 : vector<1x16xf32> to vector<16xf32>
        %add3A_213 = arith.addf %scan3A_174, %get3A_212 : vector<16xf32>
        scf.yield %add3A_178, %add3A_183, %add3A_188, %add3A_193, %add3A_198, %add3A_203, %add3A_208, %add3A_213 : vector<16xf32>, vector<16xf32>, vector<16xf32>, vector<16xf32>, vector<16xf32>, vector<16xf32>, vector<16xf32>, vector<16xf32>
      }
      %scan3A_66 = arith.constant 200 : i32
      %swap3A = arith.index_cast %add3A_34 : i32 to index
      %swap3A_67 = arith.constant 0 : index
      %swap3A_68 = tpu.vector_load %arg8[%swap3A, %swap3A_67] {strides = array<i32>} : memref<128x128xf32, #tpu.memory_space<vmem>>, vector<1x16xf32>,
      %swap3A_69 = vector.shape_cast %swap3A_68 : vector<1x16xf32> to vector<16xf32>
      %swap3A_70 = vector.shape_cast %scan3A_65#0 : vector<16xf32> to vector<1x16xf32>
      tpu.vector_store %arg8[%swap3A, %swap3A_67], %swap3A_70 {strides = array<i32>} : memref<128x128xf32, #tpu.memory_space<vmem>>, vector<1x16xf32>,
      %swap3A_71 = arith.index_cast %add3A_34 : i32 to index
      %swap3A_72 = arith.constant 16 : index
      %swap3A_73 = tpu.vector_load %arg8[%swap3A_71, %swap3A_72] {strides = array<i32>} : memref<128x128xf32, #tpu.memory_space<vmem>>, vector<1x16xf32>,
      %swap3A_74 = vector.shape_cast %swap3A_73 : vector<1x16xf32> to vector<16xf32>
      %swap3A_75 = vector.shape_cast %scan3A_65#1 : vector<16xf32> to vector<1x16xf32>
      tpu.vector_store %arg8[%swap3A_71, %swap3A_72], %swap3A_75 {strides = array<i32>} : memref<128x128xf32, #tpu.memory_space<vmem>>, vector<1x16xf32>,
      %swap3A_76 = arith.index_cast %add3A_34 : i32 to index
      %swap3A_77 = arith.constant 32 : index
      %swap3A_78 = tpu.vector_load %arg8[%swap3A_76, %swap3A_77] {strides = array<i32>} : memref<128x128xf32, #tpu.memory_space<vmem>>, vector<1x16xf32>,
      %swap3A_79 = vector.shape_cast %swap3A_78 : vector<1x16xf32> to vector<16xf32>
      %swap3A_80 = vector.shape_cast %scan3A_65#2 : vector<16xf32> to vector<1x16xf32>
      tpu.vector_store %arg8[%swap3A_76, %swap3A_77], %swap3A_80 {strides = array<i32>} : memref<128x128xf32, #tpu.memory_space<vmem>>, vector<1x16xf32>,
      %swap3A_81 = arith.index_cast %add3A_34 : i32 to index
      %swap3A_82 = arith.constant 48 : index
      %swap3A_83 = tpu.vector_load %arg8[%swap3A_81, %swap3A_82] {strides = array<i32>} : memref<128x128xf32, #tpu.memory_space<vmem>>, vector<1x16xf32>,
      %swap3A_84 = vector.shape_cast %swap3A_83 : vector<1x16xf32> to vector<16xf32>
      %swap3A_85 = vector.shape_cast %scan3A_65#3 : vector<16xf32> to vector<1x16xf32>
      tpu.vector_store %arg8[%swap3A_81, %swap3A_82], %swap3A_85 {strides = array<i32>} : memref<128x128xf32, #tpu.memory_space<vmem>>, vector<1x16xf32>,
      %swap3A_86 = arith.index_cast %add3A_34 : i32 to index
      %swap3A_87 = arith.constant 64 : index
      %swap3A_88 = tpu.vector_load %arg8[%swap3A_86, %swap3A_87] {strides = array<i32>} : memref<128x128xf32, #tpu.memory_space<vmem>>, vector<1x16xf32>,
      %swap3A_89 = vector.shape_cast %swap3A_88 : vector<1x16xf32> to vector<16xf32>
      %swap3A_90 = vector.shape_cast %scan3A_65#4 : vector<16xf32> to vector<1x16xf32>
      tpu.vector_store %arg8[%swap3A_86, %swap3A_87], %swap3A_90 {strides = array<i32>} : memref<128x128xf32, #tpu.memory_space<vmem>>, vector<1x16xf32>,
      %swap3A_91 = arith.index_cast %add3A_34 : i32 to index
      %swap3A_92 = arith.constant 80 : index
      %swap3A_93 = tpu.vector_load %arg8[%swap3A_91, %swap3A_92] {strides = array<i32>} : memref<128x128xf32, #tpu.memory_space<vmem>>, vector<1x16xf32>,
      %swap3A_94 = vector.shape_cast %swap3A_93 : vector<1x16xf32> to vector<16xf32>
      %swap3A_95 = vector.shape_cast %scan3A_65#5 : vector<16xf32> to vector<1x16xf32>
      tpu.vector_store %arg8[%swap3A_91, %swap3A_92], %swap3A_95 {strides = array<i32>} : memref<128x128xf32, #tpu.memory_space<vmem>>, vector<1x16xf32>,
      %swap3A_96 = arith.index_cast %add3A_34 : i32 to index
      %swap3A_97 = arith.constant 96 : index
      %swap3A_98 = tpu.vector_load %arg8[%swap3A_96, %swap3A_97] {strides = array<i32>} : memref<128x128xf32, #tpu.memory_space<vmem>>, vector<1x16xf32>,
      %swap3A_99 = vector.shape_cast %swap3A_98 : vector<1x16xf32> to vector<16xf32>
      %swap3A_100 = vector.shape_cast %scan3A_65#6 : vector<16xf32> to vector<1x16xf32>
      tpu.vector_store %arg8[%swap3A_96, %swap3A_97], %swap3A_100 {strides = array<i32>} : memref<128x128xf32, #tpu.memory_space<vmem>>, vector<1x16xf32>,
      %swap3A_101 = arith.index_cast %add3A_34 : i32 to index
      %swap3A_102 = arith.constant 112 : index
      %swap3A_103 = tpu.vector_load %arg8[%swap3A_101, %swap3A_102] {strides = array<i32>} : memref<128x128xf32, #tpu.memory_space<vmem>>, vector<1x16xf32>,
      %swap3A_104 = vector.shape_cast %swap3A_103 : vector<1x16xf32> to vector<16xf32>
      %swap3A_105 = vector.shape_cast %scan3A_65#7 : vector<16xf32> to vector<1x16xf32>
      tpu.vector_store %arg8[%swap3A_101, %swap3A_102], %swap3A_105 {strides = array<i32>} : memref<128x128xf32, #tpu.memory_space<vmem>>, vector<1x16xf32>,
      %add3A_106 = arith.constant 2 : i32
      %add3A_107 = arith.addi %add3A_34, %add3A_106 : i32
      %lt3A = arith.constant 128 : i32
      %lt3A_108 = arith.cmpi slt, %add3A_107, %lt3A : i32
      %convert_element_type3A = arith.extui %lt3A_108 : i1 to i32
      %cond3A = arith.constant 0 : i32
      %cond3A_109 = arith.cmpi ne, %convert_element_type3A, %cond3A : i32
      scf.if %cond3A_109 {
        %add3A_166 = arith.constant 2 : i32
        %add3A_167 = arith.addi %add3A_34, %add3A_166 : i32
        %mul3A_168 = arith.constant 200 : i32
        %mul3A_169 = arith.muli %add3A_167, %mul3A_168 : i32
        %dma_start3A_170 = arith.constant 0 : i32
        %dma_start3A_171 = arith.constant 0 : i32
        %dma_start3A_172 = tpu.memref_slice %arg6[%dma_start3A_170, %dma_start3A_171] : memref<200x128xf32, #tpu.memory_space<vmem>> -> memref<128x128xf32, #tpu.memory_space<vmem>>
        %dma_start3A_173 = tpu.memref_slice %arg5[%mul3A_169] : memref<25600xi32, #tpu.memory_space<vmem>> -> memref<128xi32, #tpu.memory_space<vmem>>
        %dma_start3A_174 = arith.constant 0 : i32
        %dma_start3A_175 = arith.constant 0 : i32
        %dma_start3A_176 = tpu.memref_slice %arg3[%dma_start3A_174, %dma_start3A_175] : memref<100000x128xf32, #tpu.memory_space<hbm>> -> memref<100000x128xf32, #tpu.memory_space<hbm>>
        tpu.enqueue_indirect_dma source(%dma_start3A_176 : memref<100000x128xf32, #tpu.memory_space<hbm>>) target(%dma_start3A_172 : memref<128x128xf32, #tpu.memory_space<vmem>>) offsets(%dma_start3A_173 : memref<128xi32, #tpu.memory_space<vmem>>) semaphore(%arg9 : memref<!tpu.dma_semaphore, #tpu.memory_space<semaphore_mem>>)
        %add3A_177 = arith.constant 128 : i32
        %add3A_178 = arith.addi %mul3A_169, %add3A_177 : i32
        %dma_start3A_179 = arith.constant 128 : i32
        %dma_start3A_180 = arith.constant 0 : i32
        %dma_start3A_181 = tpu.memref_slice %arg6[%dma_start3A_179, %dma_start3A_180] : memref<200x128xf32, #tpu.memory_space<vmem>> -> memref<72x128xf32, #tpu.memory_space<vmem>>
        %dma_start3A_182 = tpu.memref_slice %arg5[%add3A_178] : memref<25600xi32, #tpu.memory_space<vmem>> -> memref<72xi32, #tpu.memory_space<vmem>>
        %dma_start3A_183 = arith.constant 0 : i32
        %dma_start3A_184 = arith.constant 0 : i32
        %dma_start3A_185 = tpu.memref_slice %arg3[%dma_start3A_183, %dma_start3A_184] : memref<100000x128xf32, #tpu.memory_space<hbm>> -> memref<100000x128xf32, #tpu.memory_space<hbm>>
        tpu.enqueue_indirect_dma source(%dma_start3A_185 : memref<100000x128xf32, #tpu.memory_space<hbm>>) target(%dma_start3A_181 : memref<72x128xf32, #tpu.memory_space<vmem>>) offsets(%dma_start3A_182 : memref<72xi32, #tpu.memory_space<vmem>>) semaphore(%arg9 : memref<!tpu.dma_semaphore, #tpu.memory_space<semaphore_mem>>)
      } else {
      }
      %dma_wait3A_110 = arith.constant 0 : i32
      %dma_wait3A_111 = arith.constant 0 : i32
      %dma_wait3A_112 = tpu.memref_slice %arg3[%dma_wait3A_110, %dma_wait3A_111] : memref<100000x128xf32, #tpu.memory_space<hbm>> -> memref<200x128xf32, #tpu.memory_space<hbm>>
      %dma_wait3A_113 = arith.constant 0 : i32
      %dma_wait3A_114 = arith.constant 0 : i32
      %dma_wait3A_115 = tpu.memref_slice %arg3[%dma_wait3A_113, %dma_wait3A_114] : memref<100000x128xf32, #tpu.memory_space<hbm>> -> memref<200x128xf32, #tpu.memory_space<hbm>>
      tpu.wait_dma2 semaphore(%arg10 : memref<!tpu.dma_semaphore, #tpu.memory_space<semaphore_mem>>) src(%dma_wait3A_115 : memref<200x128xf32, #tpu.memory_space<hbm>>) dst(%arg7 : memref<200x128xf32, #tpu.memory_space<vmem>>)
      %add3A_116 = arith.constant 1 : i32
      %add3A_117 = arith.addi %add3A_34, %add3A_116 : i32
      %broadcast_in_dim3A_118 = arith.constant 0.000000e+00 : f32
      %broadcast_in_dim3A_119 = vector.broadcast %broadcast_in_dim3A_118 : f32 to vector<16xf32>
      %scan3A_120 = arith.constant 0 : i32
      %scan3A_121 = arith.constant 200 : i32
      %scan3A_122 = arith.addi %scan3A_120, %scan3A_121 : i32
      %scan3A_123 = arith.constant 1 : i32
      %scan3A_124:8 = scf.for %scan3A_166 = %scan3A_120 to %scan3A_122 step %scan3A_123 iter_args(%scan3A_167 = %broadcast_in_dim3A_119, %scan3A_168 = %broadcast_in_dim3A_119, %scan3A_169 = %broadcast_in_dim3A_119, %scan3A_170 = %broadcast_in_dim3A_119, %scan3A_171 = %broadcast_in_dim3A_119, %scan3A_172 = %broadcast_in_dim3A_119, %scan3A_173 = %broadcast_in_dim3A_119, %scan3A_174 = %broadcast_in_dim3A_119) -> (vector<16xf32>, vector<16xf32>, vector<16xf32>, vector<16xf32>, vector<16xf32>, vector<16xf32>, vector<16xf32>, vector<16xf32>)  : i32 {
        %get3A = arith.index_cast %scan3A_166 : i32 to index
        %get3A_175 = arith.constant 0 : index
        %get3A_176 = tpu.vector_load %arg7[%get3A, %get3A_175] {strides = array<i32>} : memref<200x128xf32, #tpu.memory_space<vmem>>, vector<1x16xf32>,
        %get3A_177 = vector.shape_cast %get3A_176 : vector<1x16xf32> to vector<16xf32>
        %add3A_178 = arith.addf %scan3A_167, %get3A_177 : vector<16xf32>
        %get3A_179 = arith.index_cast %scan3A_166 : i32 to index
        %get3A_180 = arith.constant 16 : index
        %get3A_181 = tpu.vector_load %arg7[%get3A_179, %get3A_180] {strides = array<i32>} : memref<200x128xf32, #tpu.memory_space<vmem>>, vector<1x16xf32>,
        %get3A_182 = vector.shape_cast %get3A_181 : vector<1x16xf32> to vector<16xf32>
        %add3A_183 = arith.addf %scan3A_168, %get3A_182 : vector<16xf32>
        %get3A_184 = arith.index_cast %scan3A_166 : i32 to index
        %get3A_185 = arith.constant 32 : index
        %get3A_186 = tpu.vector_load %arg7[%get3A_184, %get3A_185] {strides = array<i32>} : memref<200x128xf32, #tpu.memory_space<vmem>>, vector<1x16xf32>,
        %get3A_187 = vector.shape_cast %get3A_186 : vector<1x16xf32> to vector<16xf32>
        %add3A_188 = arith.addf %scan3A_169, %get3A_187 : vector<16xf32>
        %get3A_189 = arith.index_cast %scan3A_166 : i32 to index
        %get3A_190 = arith.constant 48 : index
        %get3A_191 = tpu.vector_load %arg7[%get3A_189, %get3A_190] {strides = array<i32>} : memref<200x128xf32, #tpu.memory_space<vmem>>, vector<1x16xf32>,
        %get3A_192 = vector.shape_cast %get3A_191 : vector<1x16xf32> to vector<16xf32>
        %add3A_193 = arith.addf %scan3A_170, %get3A_192 : vector<16xf32>
        %get3A_194 = arith.index_cast %scan3A_166 : i32 to index
        %get3A_195 = arith.constant 64 : index
        %get3A_196 = tpu.vector_load %arg7[%get3A_194, %get3A_195] {strides = array<i32>} : memref<200x128xf32, #tpu.memory_space<vmem>>, vector<1x16xf32>,
        %get3A_197 = vector.shape_cast %get3A_196 : vector<1x16xf32> to vector<16xf32>
        %add3A_198 = arith.addf %scan3A_171, %get3A_197 : vector<16xf32>
        %get3A_199 = arith.index_cast %scan3A_166 : i32 to index
        %get3A_200 = arith.constant 80 : index
        %get3A_201 = tpu.vector_load %arg7[%get3A_199, %get3A_200] {strides = array<i32>} : memref<200x128xf32, #tpu.memory_space<vmem>>, vector<1x16xf32>,
        %get3A_202 = vector.shape_cast %get3A_201 : vector<1x16xf32> to vector<16xf32>
        %add3A_203 = arith.addf %scan3A_172, %get3A_202 : vector<16xf32>
        %get3A_204 = arith.index_cast %scan3A_166 : i32 to index
        %get3A_205 = arith.constant 96 : index
        %get3A_206 = tpu.vector_load %arg7[%get3A_204, %get3A_205] {strides = array<i32>} : memref<200x128xf32, #tpu.memory_space<vmem>>, vector<1x16xf32>,
        %get3A_207 = vector.shape_cast %get3A_206 : vector<1x16xf32> to vector<16xf32>
        %add3A_208 = arith.addf %scan3A_173, %get3A_207 : vector<16xf32>
        %get3A_209 = arith.index_cast %scan3A_166 : i32 to index
        %get3A_210 = arith.constant 112 : index
        %get3A_211 = tpu.vector_load %arg7[%get3A_209, %get3A_210] {strides = array<i32>} : memref<200x128xf32, #tpu.memory_space<vmem>>, vector<1x16xf32>,
        %get3A_212 = vector.shape_cast %get3A_211 : vector<1x16xf32> to vector<16xf32>
        %add3A_213 = arith.addf %scan3A_174, %get3A_212 : vector<16xf32>
        scf.yield %add3A_178, %add3A_183, %add3A_188, %add3A_193, %add3A_198, %add3A_203, %add3A_208, %add3A_213 : vector<16xf32>, vector<16xf32>, vector<16xf32>, vector<16xf32>, vector<16xf32>, vector<16xf32>, vector<16xf32>, vector<16xf32>
      }
      %scan3A_125 = arith.constant 200 : i32
      %swap3A_126 = arith.index_cast %add3A_117 : i32 to index
      %swap3A_127 = arith.constant 0 : index
      %swap3A_128 = tpu.vector_load %arg8[%swap3A_126, %swap3A_127] {strides = array<i32>} : memref<128x128xf32, #tpu.memory_space<vmem>>, vector<1x16xf32>,
      %swap3A_129 = vector.shape_cast %swap3A_128 : vector<1x16xf32> to vector<16xf32>
      %swap3A_130 = vector.shape_cast %scan3A_124#0 : vector<16xf32> to vector<1x16xf32>
      tpu.vector_store %arg8[%swap3A_126, %swap3A_127], %swap3A_130 {strides = array<i32>} : memref<128x128xf32, #tpu.memory_space<vmem>>, vector<1x16xf32>,
      %swap3A_131 = arith.index_cast %add3A_117 : i32 to index
      %swap3A_132 = arith.constant 16 : index
      %swap3A_133 = tpu.vector_load %arg8[%swap3A_131, %swap3A_132] {strides = array<i32>} : memref<128x128xf32, #tpu.memory_space<vmem>>, vector<1x16xf32>,
      %swap3A_134 = vector.shape_cast %swap3A_133 : vector<1x16xf32> to vector<16xf32>
      %swap3A_135 = vector.shape_cast %scan3A_124#1 : vector<16xf32> to vector<1x16xf32>
      tpu.vector_store %arg8[%swap3A_131, %swap3A_132], %swap3A_135 {strides = array<i32>} : memref<128x128xf32, #tpu.memory_space<vmem>>, vector<1x16xf32>,
      %swap3A_136 = arith.index_cast %add3A_117 : i32 to index
      %swap3A_137 = arith.constant 32 : index
      %swap3A_138 = tpu.vector_load %arg8[%swap3A_136, %swap3A_137] {strides = array<i32>} : memref<128x128xf32, #tpu.memory_space<vmem>>, vector<1x16xf32>,
      %swap3A_139 = vector.shape_cast %swap3A_138 : vector<1x16xf32> to vector<16xf32>
      %swap3A_140 = vector.shape_cast %scan3A_124#2 : vector<16xf32> to vector<1x16xf32>
      tpu.vector_store %arg8[%swap3A_136, %swap3A_137], %swap3A_140 {strides = array<i32>} : memref<128x128xf32, #tpu.memory_space<vmem>>, vector<1x16xf32>,
      %swap3A_141 = arith.index_cast %add3A_117 : i32 to index
      %swap3A_142 = arith.constant 48 : index
      %swap3A_143 = tpu.vector_load %arg8[%swap3A_141, %swap3A_142] {strides = array<i32>} : memref<128x128xf32, #tpu.memory_space<vmem>>, vector<1x16xf32>,
      %swap3A_144 = vector.shape_cast %swap3A_143 : vector<1x16xf32> to vector<16xf32>
      %swap3A_145 = vector.shape_cast %scan3A_124#3 : vector<16xf32> to vector<1x16xf32>
      tpu.vector_store %arg8[%swap3A_141, %swap3A_142], %swap3A_145 {strides = array<i32>} : memref<128x128xf32, #tpu.memory_space<vmem>>, vector<1x16xf32>,
      %swap3A_146 = arith.index_cast %add3A_117 : i32 to index
      %swap3A_147 = arith.constant 64 : index
      %swap3A_148 = tpu.vector_load %arg8[%swap3A_146, %swap3A_147] {strides = array<i32>} : memref<128x128xf32, #tpu.memory_space<vmem>>, vector<1x16xf32>,
      %swap3A_149 = vector.shape_cast %swap3A_148 : vector<1x16xf32> to vector<16xf32>
      %swap3A_150 = vector.shape_cast %scan3A_124#4 : vector<16xf32> to vector<1x16xf32>
      tpu.vector_store %arg8[%swap3A_146, %swap3A_147], %swap3A_150 {strides = array<i32>} : memref<128x128xf32, #tpu.memory_space<vmem>>, vector<1x16xf32>,
      %swap3A_151 = arith.index_cast %add3A_117 : i32 to index
      %swap3A_152 = arith.constant 80 : index
      %swap3A_153 = tpu.vector_load %arg8[%swap3A_151, %swap3A_152] {strides = array<i32>} : memref<128x128xf32, #tpu.memory_space<vmem>>, vector<1x16xf32>,
      %swap3A_154 = vector.shape_cast %swap3A_153 : vector<1x16xf32> to vector<16xf32>
      %swap3A_155 = vector.shape_cast %scan3A_124#5 : vector<16xf32> to vector<1x16xf32>
      tpu.vector_store %arg8[%swap3A_151, %swap3A_152], %swap3A_155 {strides = array<i32>} : memref<128x128xf32, #tpu.memory_space<vmem>>, vector<1x16xf32>,
      %swap3A_156 = arith.index_cast %add3A_117 : i32 to index
      %swap3A_157 = arith.constant 96 : index
      %swap3A_158 = tpu.vector_load %arg8[%swap3A_156, %swap3A_157] {strides = array<i32>} : memref<128x128xf32, #tpu.memory_space<vmem>>, vector<1x16xf32>,
      %swap3A_159 = vector.shape_cast %swap3A_158 : vector<1x16xf32> to vector<16xf32>
      %swap3A_160 = vector.shape_cast %scan3A_124#6 : vector<16xf32> to vector<1x16xf32>
      tpu.vector_store %arg8[%swap3A_156, %swap3A_157], %swap3A_160 {strides = array<i32>} : memref<128x128xf32, #tpu.memory_space<vmem>>, vector<1x16xf32>,
      %swap3A_161 = arith.index_cast %add3A_117 : i32 to index
      %swap3A_162 = arith.constant 112 : index
      %swap3A_163 = tpu.vector_load %arg8[%swap3A_161, %swap3A_162] {strides = array<i32>} : memref<128x128xf32, #tpu.memory_space<vmem>>, vector<1x16xf32>,
      %swap3A_164 = vector.shape_cast %swap3A_163 : vector<1x16xf32> to vector<16xf32>
      %swap3A_165 = vector.shape_cast %scan3A_124#7 : vector<16xf32> to vector<1x16xf32>
      tpu.vector_store %arg8[%swap3A_161, %swap3A_162], %swap3A_165 {strides = array<i32>} : memref<128x128xf32, #tpu.memory_space<vmem>>, vector<1x16xf32>,
    }
    %scan3A_29 = arith.constant 64 : i32
    "tpu.region"() ({
      %run_scoped3A = tpu.sem_alloc : memref<!tpu.dma_semaphore, #tpu.memory_space<semaphore_mem>>
      %dma_start3A_30 = arith.constant 0 : i32
      %dma_start3A_31 = tpu.memref_slice %arg4[%mul3A_2, %dma_start3A_30] : memref<4096x128xf32, #tpu.memory_space<hbm>> -> memref<128x128xf32, #tpu.memory_space<hbm>>
      %dma_start3A_32 = arith.constant 0 : i32
      %dma_start3A_33 = tpu.memref_slice %arg4[%mul3A_2, %dma_start3A_32] : memref<4096x128xf32, #tpu.memory_space<hbm>> -> memref<128x128xf32, #tpu.memory_space<hbm>>
      tpu.enqueue_dma source(%arg8 : memref<128x128xf32, #tpu.memory_space<vmem>>) target(%dma_start3A_33 : memref<128x128xf32, #tpu.memory_space<hbm>>) target_semaphore(%run_scoped3A : memref<!tpu.dma_semaphore, #tpu.memory_space<semaphore_mem>>)
      %dma_wait3A = arith.constant 0 : i32
      %dma_wait3A_34 = tpu.memref_slice %arg4[%mul3A_2, %dma_wait3A] : memref<4096x128xf32, #tpu.memory_space<hbm>> -> memref<128x128xf32, #tpu.memory_space<hbm>>
      %dma_wait3A_35 = arith.constant 0 : i32
      %dma_wait3A_36 = tpu.memref_slice %arg4[%mul3A_2, %dma_wait3A_35] : memref<4096x128xf32, #tpu.memory_space<hbm>> -> memref<128x128xf32, #tpu.memory_space<hbm>>
      tpu.wait_dma2 semaphore(%run_scoped3A : memref<!tpu.dma_semaphore, #tpu.memory_space<semaphore_mem>>) src(%arg8 : memref<128x128xf32, #tpu.memory_space<vmem>>) dst(%dma_wait3A_36 : memref<128x128xf32, #tpu.memory_space<hbm>>)
      tpu.yield
    }) : () -> ()
    return
  }
}

</mosaic_0001>

<sc_bundles>
// kernel: kernel.3.cloned.1.call-start
scs
__scs_entry_jumppad:
0x0: {  	(pc) =	sbr.rel $0x88, $3  }
0x1: {  	(tag) =	ssettag $0x0;
	lr =	simm.s32 $0x1  }
0x2: {  	[smem:$0x3F9F] =	sst lr;
	_ =	strace $0xD0000000  }
0x3: {  	_ = 	snop  }
0x4: {  	_ = 	snop  }
0x5: {  	_ = 	snop  }
0x6: {  	_ = 	snop  }
0x7: {  	_ = 	snop  }
__scs_overlays_trampoline_lowered:
0x8: {  	[smem:$0x3FAE] =	sst s0  }
0x9: {  	[smem:$0x3FAF] =	sst s1  }
0xa: {  	[smem:$0x3FB0] =	sst s2  }
0xb: {  	[smem:$0x3FB1] =	sst s3  }
0xc: {  	[smem:$0x3FB2] =	sst s4  }
0xd: {  	[smem:$0x3FB3] =	sst s5  }
0xe: {  	[smem:$0x3FB4] =	sst s6  }
0xf: {  	[smem:$0x3FB5] =	sst s7  }
0x10: {  	[smem:$0x3FB6] =	sst s8  }
0x11: {  	[smem:$0x3FB7] =	sst s9;
	s0 =	simm.s32 @!p0 $0x0  }
0x12: {  	s1 =	sld [smem:$0x3F9D];
	s0 =	simm.s32 @p0 $0x1  }
0x13: {  	[smem:$0x3FB8] =	sst s0;
	s0 =	simm.s32 @!p1 $0x0  }
0x14: {  	s2 =	sld [smem:$0x3F9C];
	s0 =	simm.s32 @p1 $0x1  }
0x15: {  	[smem:$0x3FB9] =	sst s0;
	s0 =	simm.s32 @!p2 $0x0  }
0x16: {  	s3 =	sld [smem:$0x3FDB];
	s0 =	simm.s32 @p2 $0x1  }
0x17: {  	s4 =	simm.s32 $0x1BF5;
	[smem:$0x3FBB] =	sst s0  }
0x18: {  	s0 =	sld [smem:$0x3F9E];
	_ =	swait.ge [sflag:s4], $0x0  }
0x19: {  	s7 =	sld [smem:$0x3F9F]  }
0x1a: {  	s8 =	sadd.s32 $0xFFFFE003, lr  }
0x1b: {  	s9 =	sadd.s32 $0xFFFFFEF7, lr;
	s5 =	simm.s32 $0xFFFFFFFF;
	p2 =	slt.u32 s8, $0xFFFFF086  }
0x1c: {  	p1 =	slt.u32 s9, $0xF7A;
	s5 =	simm.s32 @!p2 $0x0  }
0x1d: {  	s5 =	simm.s32 @p1 $0x1;
	p0 =	seq.s32 s7, s2  }
0x1e: {  	s7 =	smul.u32 @!p0 $0xF7A, s2;
	p2 =	seq.s32 @!p0 s5, $0x0  }
0x1f: {  	s9 =	smul.u32 $0xF7A, s1;
	s8 =	simm.s32 @!p0 $0x1BF5;
	p2 =	por !p2, p0  }
0x20: {  	[sflag:s8] =	ssyncset.s32 @!p0 $0xFFFFF086;
	s6 =	sadd.s32 @!p0 s3, s7;
	s7 =	simm.s32 @!p0 $0x108  }
0x21: {  	s3 =	sadd.s32 s3, s9;
	s6 =	sadd.s32 @!p0 $0x88, s6;
	s7 =	simm.s32 @p2 $0x1082  }
0x22: {  	[simem:s7], [sflag:s8] =	dma.local @!p0 [hbm:s6], $0xF7A  }
0x23: {  	s9 =	sor.u32 $0xD0000000, s2;
	s6 =	simm.s32 $0x108;
	_ =	swait.ge @!p0 [sflag:s8], $0x0  }
0x24: {  	s3 =	sadd.s32 $0x88, s3;
	s6 =	simm.s32 @!p1 $0x1082;
	[sflag:s4] =	ssyncset.s32 $0xFFFFF086  }
0x25: {  	[simem:s6], [sflag:s4] =	dma.local [hbm:s3], $0xF7A  }
0x26: {  	[smem:$0x3F9F] =	sst s1;
	(tag) =	ssettag s2;
	_ =	strace s9  }
0x27: {  	s1 =	sld [smem:$0x3FAF]  }
0x28: {  	s2 =	sld [smem:$0x3FB0]  }
0x29: {  	s4 =	sld [smem:$0x3FB2]  }
0x2a: {  	p0 =	seq.s32 s5, $0x0;
	s5 =	sld [smem:$0x3FB3]  }
0x2b: {  	s6 =	sld [smem:$0x3FB4]  }
0x2c: {  	s7 =	sld [smem:$0x3FB5]  }
0x2d: {  	s3 =	simm.s32 $0x108;
	s8 =	sld [smem:$0x3FB6]  }
0x2e: {  	s3 =	simm.s32 @!p0 $0x1082;
	s9 =	sld [smem:$0x3FB7]  }
0x2f: {  	lr =	sadd.s32 s0, s3;
	s0 =	sld [smem:$0x3FAE]  }
0x30: {  	s3 =	sld [smem:$0x3FB1]  }
0x31: {  	[smem:$0x3FBA] =	sst s10  }
0x32: {  	s10 =	sld [smem:$0x3FB8];
	_ =	sdelay $0x3  }
0x33: {  	p0 =	seq.s32 s10, $0x1;
	s10 =	sld [smem:$0x3FBA];
	_ =	sdelay $0x3  }
0x34: {  	[smem:$0x3FBA] =	sst s10  }
0x35: {  	s10 =	sld [smem:$0x3FB9];
	_ =	sdelay $0x3  }
0x36: {  	p1 =	seq.s32 s10, $0x1;
	s10 =	sld [smem:$0x3FBA];
	_ =	sdelay $0x3  }
0x37: {  	[smem:$0x3FBA] =	sst s10  }
0x38: {  	s10 =	sld [smem:$0x3FBB]  }
0x39: {  	_ = 	snop;
	(pc) =	sbr.ind lr, $3  }
0x3a: {  	_ = 	snop  }
0x3b: {  	_ = 	snop  }
0x3c: {  	p2 =	seq.s32 s10, $0x1;
	s10 =	sld [smem:$0x3FBA]  }
0x3d: {  	_ =	shalt  }
0x3e: {  	_ =	shalt  }
0x3f: {  	_ =	shalt  }
0x40: {  	_ =	shalt  }
0x41: {  	_ =	shalt  }
0x42: {  	_ =	shalt  }
0x43: {  	_ =	shalt  }
0x44: {  	_ =	shalt  }
0x45: {  	_ =	shalt  }
0x46: {  	_ =	shalt  }
0x47: {  	_ =	shalt  }
0x48: {  	_ =	shalt  }
0x49: {  	_ =	shalt  }
0x4a: {  	_ =	shalt  }
0x4b: {  	_ =	shalt  }
0x4c: {  	_ =	shalt  }
0x4d: {  	_ =	shalt  }
0x4e: {  	_ =	shalt  }
0x4f: {  	_ =	shalt  }
0x50: {  	_ =	shalt  }
0x51: {  	_ =	shalt  }
0x52: {  	_ =	shalt  }
0x53: {  	_ =	shalt  }
0x54: {  	_ =	shalt  }
0x55: {  	_ =	shalt  }
0x56: {  	_ =	shalt  }
0x57: {  	_ =	shalt  }
0x58: {  	_ =	shalt  }
0x59: {  	_ =	shalt  }
0x5a: {  	_ =	shalt  }
0x5b: {  	_ =	shalt  }
0x5c: {  	_ =	shalt  }
0x5d: {  	_ =	shalt  }
0x5e: {  	_ =	shalt  }
0x5f: {  	_ =	shalt  }
0x60: {  	_ =	shalt  }
0x61: {  	_ =	shalt  }
0x62: {  	_ =	shalt  }
0x63: {  	_ =	shalt  }
0x64: {  	_ =	shalt  }
0x65: {  	_ =	shalt  }
0x66: {  	_ =	shalt  }
0x67: {  	_ =	shalt  }
0x68: {  	_ =	shalt  }
0x69: {  	_ =	shalt  }
0x6a: {  	_ =	shalt  }
0x6b: {  	_ =	shalt  }
0x6c: {  	_ =	shalt  }
0x6d: {  	_ =	shalt  }
0x6e: {  	_ =	shalt  }
0x6f: {  	_ =	shalt  }
0x70: {  	_ =	shalt  }
0x71: {  	_ =	shalt  }
0x72: {  	_ =	shalt  }
0x73: {  	_ =	shalt  }
0x74: {  	_ =	shalt  }
0x75: {  	_ =	shalt  }
0x76: {  	_ =	shalt  }
0x77: {  	_ =	shalt  }
0x78: {  	_ =	shalt  }
0x79: {  	_ =	shalt  }
0x7a: {  	_ =	shalt  }
0x7b: {  	_ =	shalt  }
0x7c: {  	_ =	shalt  }
0x7d: {  	_ =	shalt  }
0x7e: {  	_ =	shalt  }
0x7f: {  	_ =	shalt  }
0x80: {  	_ =	shalt  }
0x81: {  	_ =	shalt  }
0x82: {  	_ =	shalt  }
0x83: {  	_ =	shalt  }
0x84: {  	_ =	shalt  }
0x85: {  	_ =	shalt  }
0x86: {  	_ =	shalt  }
0x87: {  	_ =	shalt  }
.Lfunc_end0:
.L_simem_size_0:
called_computation_lowered:
.L_overlay_start_0:
0x88: {  	s2 =	sld [smem:$0x3FD9]  }
0x89: {  	s3 =	sld [smem:$0x3FFE];
	_ =	sdelay $0x1  }
0x8a: {  	s1 =	srdreg.scid  }
0x8b: {  	s0 =	sand.u32 $0x1, s1  }
0x8c: {  	s17 =	sshll.u32 s0, $0xA;
	s2 =	sadd.s32 s3, s2  }
0x8d: {  	s2 =	sadd.s32 s2, s17  }
0x8e: {  	[smem:$0x3FC6] =	sst s2  }
0x8f: {  	_ = 	snop  }
0x90: {  	s2 =	sld [smem:$0x3FC8]  }
0x91: {  	s18 =	sld [smem:$0x3FD0];
	(tm) =	ssettm $0x1  }
0x92: {  	s4 =	sld [smem:$0x3FFB];
	_ =	sdelay $0x3  }
0x93: {  	_ =	strace s4  }
0x94: {  	s4 =	sld [smem:$0x3FFC];
	_ =	sdelay $0x3  }
0x95: {  	_ =	strace s4  }
0x96: {  	s4 =	sld [smem:$0x3FFD];
	_ =	sdelay $0x3  }
0x97: {  	_ =	strace s4  }
0x98: {  	_ =	strace $0x8FFFFFFF  }
0x99: {  	s19 =	sld [smem:$0x3FDB];
	_ =	sdelay $0x1  }
0x9a: {  	s5 =	simm.s32 $_scs_section_size  }
0x9b: {  	s6 =	simm.s32 $_size__tile_overlayer_lowered;
	s7 =	simm.s32 $_tile_overlayer_lowered  }
0x9c: {  	s22 =	simm.s32 $0x1BFF;
	s21 =	sshll.u32 s7, $0x1;
	s4 =	sadd.s32 s5, s19  }
0x9d: {  	s8 =	simm.s32 $0x0;
	s20 =	sshll.u32 s6, $0x1;
	s6 =	sadd.s32 s21, s4  }
0x9e: {  	[timem:s8], [sflag:s22] =	dma.local [hbm:s6], s20  }
0x9f: {  	_ =	swait.ge [sflag:s22], s20  }
0xa0: {  	s5 =	ssub.s32 $0x0, s20;
	[sflag:s22] =	ssyncset.done $0x0  }
0xa1: {  	[sflag:s22] =	ssyncadd.s32 s5;
	_ =	sdelay $0x1  }
0xa2: {  	s23 =	simm.s32 $0x1B8B  }
0xa3: {  	_ =	swait.ge [sflag:s23], $0x1  }
0xa4: {  	[sflag:s23] =	ssyncset.done $0x0  }
0xa5: {  	s25 =	simm.s32 $0x1B8E;
	s24 =	sld [smem:$0x3FFE];
	[sflag:s23] =	ssyncadd.s32 $0xFFFFFFFF  }
0xa6: {  	s26 =	simm.s32 $execute0_lowered;
	[smem:$0x3FD2] =	sst s25  }
0xa7: {  	s6 =	sshll.u32 s26, $0x1;
	_ =	strace $0x80000046;
	[dreg:$0x1] =	wrdreg $0xFFFFFFFF  }
0xa8: {  	s28 =	simm.s32 $_size_execute0_lowered;
	s4 =	sadd.s32 s4, s6;
	[dreg:$0x0] =	wrdreg $0x0  }
0xa9: {  	s6 =	sshll.u32 s28, $0x1;
	[dreg:$0x2] =	wrdreg s4  }
0xaa: {  	[dreg:$0x3] =	wrdreg s6  }
0xab: {  	[dreg:$0x4] =	wrdreg $0xC0  }
0xac: {  	_ =	task [dreg:s8], $0x5FFFF  }
0xad: {  	[dreg:$0x1] =	wrdreg $0xFFFFFFFF  }
0xae: {  	[dreg:$0x0] =	wrdreg $0x60  }
0xaf: {  	[dreg:$0x2] =	wrdreg s24  }
0xb0: {  	[dreg:$0x3] =	wrdreg s2  }
0xb1: {  	[dreg:$0x4] =	wrdreg s18  }
0xb2: {  	[dreg:$0x5] =	wrdreg $0x9  }
0xb3: {  	_ =	task.clear_ibuf [dreg:s8], $0x6FFFF;
	_ =	strace $0x90000046  }
0xb4: {  	s29 =	simm.s32 $0x9;
	_ =	strace $0x80000048  }
0xb5: {  	_ =	swait.ge [sflag:s29], $0x1  }
0xb6: {  	[sflag:s29] =	ssyncadd.s32 $0xFFFFFFFF  }
0xb7: {  	_ =	strace $0x90000048  }
0xb8: {  	_ =	sfence  }
0xb9: {  	s30 =	sld [smem:$0x0];
	_ =	sdelay $0x2  }
0xba: {  	s31 =	sshll.u32 s1, $0xD;
	s1 =	sshrl.u32 s1, $0x2  }
0xbb: {  	s3 =	sand.u32 $0x4000, s31;
	s1 =	sadd.s32 s1, s30  }
0xbc: {  	s0 =	sor.u32 s3, s0;
	s1 =	sshll.u32 s1, $0x11  }
0xbd: {  	s0 =	sor.u32 s1, s0  }
0xbe: {  	s0 =	sadd.s32 $0x8F2B, s0  }
0xbf: {  	[sflag:s0] =	ssyncadd.remote.s32 $0x1  }
0xc0: {  	_ =	sfence.sel $0xFFFF  }
0xc1: {  	[dreg:$0x0] =	wrdreg $0xFFFFFFFF;
	(pc) =	sbr.abs _section_cstart, $3  }
0xc2: {  	[dreg:$0x1] =	wrdreg $0xFFFFFFFF  }
0xc3: {  	_ =	task.clear_ibuf [dreg:s8], $0x2FFFF;
	_ =	strace $0x9FFFFFFF  }
0xc4: {  	(tm) =	ssettm $0x7FFFFFFF  }
0xc5: {  	_ =	shalt  }
tec
execute0_lowered:
.L_overlay_start_1:
0x0: {  	(tag) =	ssettag $0x1  }
0x1: {  	s0 =	rddreg [dreg:$0x0];
	s1 =	srdreg.scid  }
0x2: {  	s2 =	stileid.u32;
	s3 =	rddreg [dreg:$0x2]  }
0x3: {  	v0 =	vimm.s32 $0xECA86420;
	vm0 =	vcmask $0xB08;
	vm1 =	vcmask $0x1310;
	s1 =	sand.u32 $0x1, s1;
	s4 =	sshll.u32 s2, $0x1;
	s2 =	simm.s32 $0x0  }
0x4: {  	vm2 =	vcmask $0x1B18;
	vm3 =	vcmask $0x300;
	vm4 =	vcmask $0x2320;
	s4 =	sor.u32 s1, s4;
	[smem:$0x7FF] =	sst s2;
	s1 =	ssub.s32 $0x2, s1  }
0x5: {  	vm5 =	vcmask $0x2B28;
	vm6 =	vcmask $0x3330;
	vm7 =	vcmask $0x3B38;
	s5 =	smul.u32 $0xC80, s4;
	s29 =	sshrl.u32 s1, $0x1;
	s4 =	sshll.u32 s4, $0xB  }
0x6: {  	v1 =	vlaneseq.u32;
	vm8 =	vmmov $0xff;
	vm9 =	vcmask $0x704;
	_ =	strace $0x80000047;
	s1 =	ssub.s32 s1, s29;
	s30 =	sadd.s32 s3, s4  }
0x7: {  	vm10 =	vcmask $0xF0C;
	vm11 =	vcmask $0x1714;
	v0 =	vunpack.c.l.s4.s8 v0;
	s0 =	sadd.s32 s5, s0;
	[dreg:$0x7] =	wrdreg s30;
	s31 =	smax.u32 s1, $0x1  }
0x8: {  	vm12 =	vcmask $0x1F1C;
	vm13 =	vcmask $0x2724;
	vm14 =	vcmask $0x2F2C;
	s0 =	sadd.s32 $0x400, s0;
	[dreg:$0x8] =	wrdreg s31  }
0x9: {  	vm15 =	vcmask $0x3734;
	v1 =	vmul.u32 $0x2, v1;
	v0 =	vunpack.c.0.s8.s32 v0;
	s3 =	simm.s32 $0x0;
	s1 =	simm.s32 $0x3;
	[dreg:$0x6] =	wrdreg s0  }
.LBB2_1:
0xa: {  	[dreg:$0x9] =	wrdreg s3  }
0xb: {  	s0 =	rddreg [dreg:$0x6]  }
0xc: {  	[tilespmem:s2], [sflag:$0x3] =	stream.linear.gather [hbm4b:s0+s2], $0x6400, $0x38;
	[tilespmem:$0x16C00] =	vst v63  }
0xd: {  	_ =	swait.ge [sflag:s1], $0x6400  }
0xe: {  	[sflag:s1] =	ssyncset.done $0x0  }
0xf: {  	s18 =	simm.s32 $0x0;
	[sflag:s1] =	ssyncadd.s32 $0xFFFF9C00  }
0x10: {  	v2 =	vld [tilespmem:s18+$0x0];
	_ =	sdelay $0x4  }
0x11: {  	(v2sf) =	vpush v2, $0x0  }
0x12: {  	(v2sf) =	vpush v2, $0x1;
	_ =	sdelay $0x1  }
0x13: {  	(v2sf) =	vpush v2, $0x2;
	_ =	sdelay $0x1  }
0x14: {  	(v2sf) =	vpush v2, $0x7;
	_ =	sdelay $0x1  }
0x15: {  	(v2sf) =	vpush v2, $0x3  }
0x16: {  	(v2sf) =	vpush v2, $0x4;
	_ =	sdelay $0x1  }
0x17: {  	(v2sf) =	vpush v2, $0xC  }
0x18: {  	(v2sf) =	vpush v2, $0xD;
	_ =	sdelay $0x2  }
0x19: {  	(v2sf) =	vpush v2, $0xE  }
0x1a: {  	(v2sf) =	vpush v2, $0x8;
	s23 =	spop (v2sf)  }
0x1b: {  	s0 =	smulhi.u32 $0x14F8B589, s23;
	s24 =	spop (v2sf)  }
0x1c: {  	(v2sf) =	vpush v2, $0xF;
	s1 =	sshra.s32 s23, $0x1F;
	s4 =	smulhi.u32 $0x14F8B589, s24  }
0x1d: {  	s5 =	spop (v2sf);
	s1 =	smul.u32 $0x14F8B589, s1  }
0x1e: {  	(v2sf) =	vpush v2, $0x9;
	s3 =	sshra.s32 s24, $0x1F;
	s6 =	smulhi.u32 $0x14F8B589, s5  }
0x1f: {  	s7 =	spop (v2sf);
	s3 =	smul.u32 $0x14F8B589, s3  }
0x20: {  	(v2sf) =	vpush v2, $0xA;
	s5 =	sshra.s32 s5, $0x1F;
	s17 =	smulhi.u32 $0x14F8B589, s7  }
0x21: {  	(v2sf) =	vpush v2, $0x5;
	s7 =	sshra.s32 s7, $0x1F;
	s9 =	spop (v2sf);
	s5 =	smul.u32 $0x14F8B589, s5  }
0x22: {  	s10 =	spop (v2sf);
	s12 =	smul.u32 $0x14F8B589, s7  }
0x23: {  	s13 =	smulhi.u32 $0x14F8B589, s9;
	s9 =	sshra.s32 s9, $0x1F;
	s25 =	sshra.s32 s10, $0x1F  }
0x24: {  	s11 =	spop (v2sf);
	s5 =	sadd.s32 s5, s6;
	s21 =	smul.u32 $0x14F8B589, s25  }
0x25: {  	s26 =	spop (v2sf);
	s24 =	sshra.s32 s5, $0xD;
	s8 =	smulhi.u32 $0x14F8B589, s11  }
0x26: {  	(v2sf) =	vpush v2, $0xB;
	s22 =	sshrl.u32 s5, $0x1F;
	s23 =	sshra.s32 s5, $0x1F;
	s5 =	smul.u32 $0x14F8B589, s9  }
0x27: {  	s3 =	sadd.s32 s3, s4;
	s14 =	sshra.s32 s11, $0x1F;
	s15 =	smulhi.u32 $0x14F8B589, s26  }
0x28: {  	s2 =	spop (v2sf);
	s14 =	smul.u32 $0x14F8B589, s14;
	s7 =	sshra.s32 s26, $0x1F  }
0x29: {  	(v2sf) =	vpush v2, $0x6;
	s25 =	smulhi.u32 $0x14F8B589, s2;
	s19 =	spop (v2sf);
	s2 =	sshra.s32 s2, $0x1F  }
0x2a: {  	s6 =	smul.u32 $0x14F8B589, s7;
	s5 =	sadd.s32 s5, s13;
	s13 =	sadd.s32 s1, s0  }
0x2b: {  	s1 =	sshra.s32 s3, $0xD;
	s20 =	spop (v2sf);
	s4 =	sadd.s32 s14, s8  }
0x2c: {  	s30 =	sshrl.u32 s5, $0x1F;
	s9 =	sshra.s32 s20, $0x1F;
	s11 =	smulhi.u32 $0x14F8B589, s20  }
0x2d: {  	s0 =	sshra.s32 s5, $0xD;
	s7 =	smul.u32 $0x14F8B589, s9;
	s16 =	spop (v2sf)  }
0x2e: {  	s31 =	sshra.s32 s5, $0x1F;
	s6 =	sadd.s32 s6, s15;
	s14 =	smulhi.u32 $0x14F8B589, s16  }
0x2f: {  	s26 =	sshra.s32 s16, $0x1F;
	s20 =	spop (v2sf);
	s16 =	smulhi.u32 $0x14F8B589, s10  }
0x30: {  	s28 =	smul.u32 $0x14F8B589, s26;
	s26 =	sshra.s32 s6, $0xD;
	s10 =	spop (v2sf)  }
0x31: {  	s8 =	sshrl.u32 s4, $0x1F;
	[dreg:$0xa] =	wrdreg s26;
	s26 =	smulhi.u32 $0x14F8B589, s20  }
0x32: {  	s15 =	sshra.s32 s4, $0xD;
	s9 =	sshra.s32 s20, $0x1F;
	s4 =	smulhi.u32 $0x14F8B589, s10  }
0x33: {  	s5 =	sshra.s32 s19, $0x1F;
	s6 =	sshrl.u32 s6, $0x1F;
	s9 =	smul.u32 $0x14F8B589, s9  }
0x34: {  	s20 =	sadd.s32 s12, s17;
	s17 =	sshra.s32 s10, $0x1F;
	s10 =	smulhi.u32 $0x14F8B589, s19  }
0x35: {  	v4 =	vmov s8;
	s12 =	sshra.s32 s3, $0x1F;
	s19 =	simm.s32 $0x40;
	s8 =	spop (v2sf)  }
0x36: {  	s29 =	sadd.s32 s28, s14;
	s14 =	smul.u32 $0x14F8B589, s2;
	s2 =	sshra.s32 s20, $0x1F  }
0x37: {  	v3 =	vmov s15;
	s28 =	sshrl.u32 s3, $0x1F;
	s3 =	sshra.s32 s13, $0xD;
	s15 =	rddreg [dreg:$0xa];
	v5 =	vmov s2  }
0x38: {  	v4 =	vsel vm0, s6, v4;
	s6 =	spop (v2sf);
	v3 =	vsel vm0, s15, v3;
	s15 =	sshra.s32 s13, $0x1F;
	v5 =	vsel vm3, s3, v5;
	s3 =	smulhi.u32 $0x14F8B589, s8  }
.LBB2_2:
0x39: {  	s2 =	sshrl.u32 s29, $0x1F  }
0x3a: {  	s5 =	smul.u32 $0x14F8B589, s5;
	s8 =	sshra.s32 s8, $0x1F;
	v5 =	vsel vm9, s15, v5;
	s7 =	sadd.s32 s7, s11  }
0x3b: {  	s13 =	sshrl.u32 s13, $0x1F;
	s15 =	smul.u32 $0x14F8B589, s17;
	s17 =	sshra.s32 s6, $0x1F;
	v5 =	vsel vm0, s1, v5  }
0x3c: {  	s25 =	sadd.s32 s14, s25;
	v6 =	vmov s13;
	s13 =	smul.u32 $0x14F8B589, s17;
	s5 =	sadd.s32 s5, s10;
	v5 =	vsel vm10, s12, v5  }
0x3d: {  	s10 =	sadd.s32 s21, s16;
	v6 =	vnsel vm3, $0x0, v6;
	s21 =	sshrl.u32 s25, $0x1F;
	s1 =	sshra.s32 s25, $0xD;
	v5 =	vsel vm1, s24, v5  }
0x3e: {  	s8 =	smul.u32 $0x14F8B589, s8;
	s9 =	sadd.s32 s9, s26;
	s12 =	sshrl.u32 s7, $0x1F;
	v6 =	vsel vm0, s28, v6;
	v4 =	vsel vm1, s21, v4;
	v3 =	vsel vm1, s1, v3  }
0x3f: {  	s4 =	sadd.s32 s15, s4;
	s15 =	sshrl.u32 s5, $0x1F;
	s5 =	sshra.s32 s5, $0xD;
	v5 =	vsel vm11, s23, v5;
	v6 =	vsel vm1, s22, v6;
	v4 =	vsel vm2, s12, v4  }
0x40: {  	s7 =	sshra.s32 s7, $0xD;
	s16 =	sshrl.u32 s10, $0x1F;
	s23 =	smulhi.u32 $0x14F8B589, s6;
	v7 =	vmov s15;
	v8 =	vmov s5;
	v5 =	vsel vm2, s0, v5  }
0x41: {  	s24 =	sshra.s32 s10, $0xD;
	s25 =	sshrl.u32 s4, $0x1F;
	s10 =	sshra.s32 s10, $0x1F;
	v3 =	vsel vm2, s7, v3;
	v6 =	vsel vm2, s30, v6;
	v5 =	vsel vm12, s31, v5  }
0x42: {  	s17 =	sshra.s32 s4, $0xD;
	v7 =	vsel vm0, s2, v7;
	v6 =	vsel vm4, s16, v6;
	s22 =	sadd.s32 s13, s23;
	s23 =	sshrl.u32 s9, $0x1F;
	v5 =	vsel vm4, s24, v5  }
0x43: {  	s21 =	sadd.s32 s8, s3;
	s16 =	sshra.s32 s29, $0xD;
	v6 =	vsel vm5, s25, v6;
	v7 =	vsel vm1, s23, v7;
	s25 =	sshrl.u32 s22, $0x1F;
	v5 =	vsel vm13, s10, v5  }
0x44: {  	s26 =	sshra.s32 s9, $0xD;
	s4 =	sshra.s32 s4, $0x1F;
	s2 =	sshrl.u32 s21, $0x1F;
	v8 =	vsel vm0, s16, v8;
	v6 =	vsel vm6, s25, v6;
	v5 =	vsel vm5, s17, v5  }
0x45: {  	s24 =	sshra.s32 s21, $0xD;
	s6 =	sshra.s32 s22, $0xD;
	v8 =	vsel vm1, s26, v8;
	v7 =	vsel vm2, s2, v7;
	v5 =	vsel vm14, s4, v5  }
0x46: {  	s7 =	sshrl.u32 s20, $0x1F;
	s8 =	sshra.s32 s22, $0x1F;
	v8 =	vsel vm2, s24, v8;
	v4 =	vcombine.low v7, v4;
	v5 =	vsel vm6, s6, v5  }
0x47: {  	s9 =	sshra.s32 s20, $0xD;
	v6 =	vsel vm7, s7, v6;
	v3 =	vcombine.low v8, v3;
	v5 =	vsel vm15, s8, v5  }
0x48: {  	v6 =	vperm.xlane v6, v1;
	v4 =	vperm.xlane v4, v0;
	v5 =	vsel vm7, s9, v5  }
0x49: {  	v3 =	vperm.xlane v3, v0;
	v5 =	vperm.xlane v5, v1;
	_ =	sdelay $0x1  }
0x4a: {  	v4 =	vsel vm8, v6, v4;
	v3 =	vsel vm8, v5, v3  }
0x4b: {  	v3 =	vadd.s32 v4, v3  }
0x4c: {  	v3 =	vmul.u32 $0x186A0, v3;
	_ =	sdelay $0x1  }
0x4d: {  	s10 =	smov.u32 s19;
	v2 =	vsub.s32 v2, v3  }
0x4e: {  	s11 =	sshra.s32 s10, $0x2;
	[tilespmem:s18+$0x0] =	vst v2  }
0x4f: {  	v2 =	vld [tilespmem:s11+$0x0];
	_ =	sdelay $0x4  }
0x50: {  	(v2sf) =	vpush v2, $0x0  }
0x51: {  	(v2sf) =	vpush v2, $0x1;
	_ =	sdelay $0x1  }
0x52: {  	(v2sf) =	vpush v2, $0x2;
	_ =	sdelay $0x1  }
0x53: {  	(v2sf) =	vpush v2, $0x7;
	_ =	sdelay $0x1  }
0x54: {  	(v2sf) =	vpush v2, $0x3  }
0x55: {  	(v2sf) =	vpush v2, $0x4;
	_ =	sdelay $0x1  }
0x56: {  	(v2sf) =	vpush v2, $0xC;
	_ =	sdelay $0x1  }
0x57: {  	(v2sf) =	vpush v2, $0xD;
	_ =	sdelay $0x1  }
0x58: {  	(v2sf) =	vpush v2, $0xE  }
0x59: {  	s12 =	spop (v2sf)  }
0x5a: {  	s29 =	smulhi.u32 $0x14F8B589, s12;
	s13 =	spop (v2sf)  }
0x5b: {  	(v2sf) =	vpush v2, $0x8;
	s3 =	sshra.s32 s12, $0x1F;
	s14 =	smulhi.u32 $0x14F8B589, s13  }
0x5c: {  	(v2sf) =	vpush v2, $0xF;
	s15 =	spop (v2sf);
	s3 =	smul.u32 $0x14F8B589, s3  }
0x5d: {  	p0 =	sne.s32 s19, $0x18FC0;
	s0 =	sshra.s32 s13, $0x1F;
	s16 =	smulhi.u32 $0x14F8B589, s15  }
0x5e: {  	s19 =	sadd.s32 $0x40, s19;
	(v2sf) =	vpush v2, $0x9;
	s17 =	spop (v2sf);
	s0 =	smul.u32 $0x14F8B589, s0  }
0x5f: {  	[dreg:$0x4] =	wrdreg s11;
	s2 =	sshra.s32 s15, $0x1F;
	s9 =	smulhi.u32 $0x14F8B589, s17  }
0x60: {  	s5 =	sshra.s32 s17, $0x1F;
	s18 =	spop (v2sf);
	s25 =	smul.u32 $0x14F8B589, s2  }
0x61: {  	s21 =	sshra.s32 s18, $0x1F;
	s10 =	spop (v2sf);
	s20 =	smul.u32 $0x14F8B589, s5  }
0x62: {  	(v2sf) =	vpush v2, $0xA;
	s6 =	sadd.s32 s0, s14;
	s4 =	smulhi.u32 $0x14F8B589, s18;
	s24 =	sshra.s32 s10, $0x1F  }
0x63: {  	s26 =	spop (v2sf);
	s1 =	sshra.s32 s6, $0xD;
	s8 =	smul.u32 $0x14F8B589, s21  }
0x64: {  	s0 =	sadd.s32 s25, s16;
	s28 =	sshrl.u32 s6, $0x1F;
	s11 =	smul.u32 $0x14F8B589, s24  }
0x65: {  	(v2sf) =	vpush v2, $0x5;
	s12 =	spop (v2sf);
	s13 =	sshra.s32 s26, $0x1F;
	s24 =	sshra.s32 s0, $0xD  }
0x66: {  	s22 =	sshrl.u32 s0, $0x1F;
	s23 =	sshra.s32 s0, $0x1F;
	s16 =	smulhi.u32 $0x14F8B589, s26  }
0x67: {  	(v2sf) =	vpush v2, $0xB;
	s20 =	sadd.s32 s20, s9;
	s7 =	smulhi.u32 $0x14F8B589, s12;
	s15 =	spop (v2sf)  }
0x68: {  	s14 =	sshra.s32 s12, $0x1F;
	(v2sf) =	vpush v2, $0x6;
	[dreg:$0x5] =	wrdreg s11;
	s11 =	smul.u32 $0x14F8B589, s13  }
0x69: {  	s8 =	sadd.s32 s8, s4;
	s25 =	smulhi.u32 $0x14F8B589, s15;
	s2 =	sshra.s32 s15, $0x1F  }
0x6a: {  	s13 =	spop (v2sf);
	s12 =	smul.u32 $0x14F8B589, s14;
	s30 =	sshrl.u32 s8, $0x1F  }
0x6b: {  	s31 =	sshra.s32 s8, $0x1F;
	s5 =	sshra.s32 s13, $0x1F;
	s17 =	spop (v2sf)  }
0x6c: {  	s15 =	sshra.s32 s17, $0x1F;
	s0 =	sadd.s32 s11, s16;
	s11 =	smulhi.u32 $0x14F8B589, s17  }
0x6d: {  	s18 =	spop (v2sf);
	s12 =	sadd.s32 s12, s7;
	s16 =	smulhi.u32 $0x14F8B589, s10  }
0x6e: {  	s14 =	sshra.s32 s18, $0x1F;
	s21 =	sshrl.u32 s0, $0x1F;
	s18 =	smulhi.u32 $0x14F8B589, s18  }
0x6f: {  	s0 =	sshra.s32 s0, $0xD;
	s10 =	sshra.s32 s12, $0xD;
	s7 =	smul.u32 $0x14F8B589, s15  }
0x70: {  	s12 =	sshrl.u32 s12, $0x1F;
	s15 =	sshra.s32 s20, $0x1F;
	v4 =	vmov s21;
	s21 =	smul.u32 $0x14F8B589, s14;
	v3 =	vmov s0  }
0x71: {  	s0 =	sshra.s32 s8, $0xD;
	v3 =	vsel vm0, s10, v3;
	s10 =	smulhi.u32 $0x14F8B589, s13;
	s26 =	spop (v2sf)  }
0x72: {  	s13 =	sadd.s32 s3, s29;
	s17 =	sshra.s32 s26, $0x1F;
	s26 =	smulhi.u32 $0x14F8B589, s26  }
.Ltmp0:
0x73: {  	s29 =	sadd.s32 s21, s18;
	s21 =	rddreg [dreg:$0x5];
	(pc) =	sbr.rel @p0 .LBB2_2-.Ltmp0, $4  }
0x74: {  	v4 =	vsel vm0, s12, v4;
	s12 =	sshra.s32 s6, $0x1F;
	s9 =	smul.u32 $0x14F8B589, s17;
	s14 =	spop (v2sf)  }
0x75: {  	v5 =	vmov s15;
	s15 =	sshra.s32 s13, $0xD;
	s18 =	rddreg [dreg:$0x4];
	s4 =	smulhi.u32 $0x14F8B589, s14  }
0x76: {  	s17 =	sshra.s32 s14, $0x1F;
	s14 =	smul.u32 $0x14F8B589, s2;
	s8 =	spop (v2sf)  }
0x77: {  	v5 =	vsel vm3, s15, v5;
	s15 =	sshra.s32 s13, $0x1F;
	s3 =	smulhi.u32 $0x14F8B589, s8;
	s6 =	spop (v2sf)  }
0x78: {  	s2 =	smul.u32 $0x14F8B589, s5  }
0x79: {  	v5 =	vsel vm9, s15, v5;
	s5 =	sadd.s32 s7, s11;
	s14 =	sadd.s32 s14, s25;
	s15 =	sshrl.u32 s13, $0x1F  }
0x7a: {  	s17 =	smul.u32 $0x14F8B589, s17;
	s19 =	sshra.s32 s6, $0x1F;
	s21 =	sadd.s32 s21, s16;
	v5 =	vsel vm0, s1, v5  }
0x7b: {  	s8 =	sshra.s32 s8, $0x1F;
	s9 =	sadd.s32 s9, s26;
	v6 =	vmov s15;
	s25 =	sshrl.u32 s14, $0x1F;
	v5 =	vsel vm10, s12, v5  }
0x7c: {  	s26 =	smulhi.u32 $0x14F8B589, s6;
	s7 =	sshra.s32 s14, $0xD;
	s1 =	sadd.s32 s2, s10;
	v6 =	vnsel vm3, $0x0, v6;
	v4 =	vsel vm1, s25, v4;
	v5 =	vsel vm1, s24, v5  }
0x7d: {  	s8 =	smul.u32 $0x14F8B589, s8;
	v3 =	vsel vm1, s7, v3;
	v6 =	vsel vm0, s28, v6;
	s24 =	sshrl.u32 s5, $0x1F;
	s13 =	sshrl.u32 s1, $0x1F;
	v5 =	vsel vm11, s23, v5  }
0x7e: {  	s14 =	sshrl.u32 s29, $0x1F;
	s1 =	sshra.s32 s1, $0xD;
	s5 =	sshra.s32 s5, $0xD;
	v6 =	vsel vm1, s22, v6;
	v4 =	vsel vm2, s24, v4;
	v7 =	vmov s13  }
0x7f: {  	s15 =	sshra.s32 s21, $0x1F;
	s10 =	smul.u32 $0x14F8B589, s19;
	s19 =	sshra.s32 s29, $0xD;
	v8 =	vmov s1;
	v3 =	vsel vm2, s5, v3;
	v5 =	vsel vm2, s0, v5  }
0x80: {  	s28 =	sadd.s32 s8, s3;
	s8 =	sshra.s32 s21, $0xD;
	v6 =	vsel vm2, s30, v6;
	s30 =	sshrl.u32 s21, $0x1F;
	v7 =	vsel vm0, s14, v7;
	v5 =	vsel vm12, s31, v5  }
0x81: {  	s2 =	sadd.s32 s17, s4;
	s22 =	sshra.s32 s9, $0xD;
	s21 =	sshrl.u32 s9, $0x1F;
	v8 =	vsel vm0, s19, v8;
	v6 =	vsel vm4, s30, v6;
	v5 =	vsel vm4, s8, v5  }
0x82: {  	s16 =	sshrl.u32 s2, $0x1F;
	s17 =	sshra.s32 s2, $0xD;
	s24 =	sshrl.u32 s28, $0x1F;
	v7 =	vsel vm1, s21, v7;
	v8 =	vsel vm1, s22, v8;
	v5 =	vsel vm13, s15, v5  }
0x83: {  	s2 =	sshra.s32 s2, $0x1F;
	s12 =	sadd.s32 s10, s26;
	s0 =	sshra.s32 s28, $0xD;
	v6 =	vsel vm5, s16, v6;
	v7 =	vsel vm2, s24, v7;
	v5 =	vsel vm5, s17, v5  }
0x84: {  	s23 =	sshra.s32 s12, $0xD;
	s26 =	sshrl.u32 s12, $0x1F;
	v8 =	vsel vm2, s0, v8;
	v4 =	vcombine.low v7, v4;
	v5 =	vsel vm14, s2, v5  }
0x85: {  	s29 =	sshrl.u32 s20, $0x1F;
	s25 =	sshra.s32 s12, $0x1F;
	v6 =	vsel vm6, s26, v6;
	v3 =	vcombine.low v8, v3;
	v5 =	vsel vm6, s23, v5  }
0x86: {  	s28 =	sshra.s32 s20, $0xD;
	v6 =	vsel vm7, s29, v6;
	v5 =	vsel vm15, s25, v5  }
0x87: {  	v4 =	vperm.xlane v4, v0;
	v3 =	vperm.xlane v3, v0;
	v5 =	vsel vm7, s28, v5  }
0x88: {  	v6 =	vperm.xlane v6, v1;
	v5 =	vperm.xlane v5, v1;
	_ =	sdelay $0x1  }
0x89: {  	v4 =	vsel vm8, v6, v4;
	v3 =	vsel vm8, v5, v3  }
0x8a: {  	v3 =	vadd.s32 v4, v3  }
0x8b: {  	v3 =	vmul.u32 $0x186A0, v3  }
0x8c: {  	s6 =	simm.s32 $0x48  }
0x8d: {  	s4 =	rddreg [dreg:$0x1];
	s7 =	simm.s32 $0xC800;
	s5 =	simm.s32 $0x80;
	v2 =	vsub.s32 v2, v3  }
0x8e: {  	s10 =	simm.s32 $0x2;
	s30 =	simm.s32 $0x6400;
	[tilespmem:s18+$0x0] =	vst v2;
	s18 =	simm.s32 $0x0  }
0x8f: {  	[tilespmem:s30], [sflag:$0x1] =	stream.indirect.gather [hbm4b:s4+s5], $0x80, s18, s5, $0xb8;
	[tilespmem:$0x16C00] =	vst v63  }
0x90: {  	s9 =	simm.s32 $0x1;
	s31 =	simm.s32 $0xA400;
	s8 =	simm.s32 $0x10800  }
0x91: {  	[tilespmem:s31], [sflag:$0x1] =	stream.indirect.gather [hbm4b:s4+s6], $0x80, s5, s6, $0xb8;
	[tilespmem:$0x16C00] =	vst v63  }
.LBB2_4:
0x92: {  	s19 =	sshllo.u32 s18, $0x1  }
0x93: {  	s0 =	smul.u32 $0x320, s19;
	_ =	sdelay $0x1  }
0x94: {  	s0 =	sshra.s32 s0, $0x2  }
0x95: {  	[tilespmem:s7], [sflag:$0x2] =	stream.indirect.gather [hbm4b:s4+s5], $0x80, s0, s5, $0xb8;
	[tilespmem:$0x16C00] =	vst v63  }
0x96: {  	s0 =	sadd.s32 $0x80, s0  }
0x97: {  	[tilespmem:s8], [sflag:$0x2] =	stream.indirect.gather [hbm4b:s4+s6], $0x80, s0, s6, $0xb8;
	[tilespmem:$0x16C00] =	vst v63  }
0x98: {  	_ =	swait.ge [sflag:s9], $0x6400  }
0x99: {  	[sflag:s9] =	ssyncset.done $0x0  }
0x9a: {  	s2 =	simm.s32 $0x0;
	[sflag:s9] =	ssyncadd.s32 $0xFFFF9C00  }
0x9b: {  	v2 =	vld [tilespmem:s2+$0x6470]  }
0x9c: {  	v3 =	vld [tilespmem:s2+$0x6400]  }
0x9d: {  	v5 =	vld [tilespmem:s2+$0x6410]  }
0x9e: {  	v14 =	vld [tilespmem:s2+$0x6420]  }
0x9f: {  	v12 =	vld [tilespmem:s2+$0x6430]  }
0xa0: {  	v4 =	vimm.f32 $0.0e+00;
	v8 =	vimm.f32 $0.0e+00;
	v7 =	vld [tilespmem:s2+$0x6440]  }
0xa1: {  	v9 =	vimm.f32 $0.0e+00;
	v10 =	vld [tilespmem:s2+$0x6450];
	v2 =	vadd.f32 v2, v4;
	v11 =	vadd.f32 v3, v4  }
0xa2: {  	s1 =	simm.s32 $0x400;
	s0 =	simm.s32 $0x80;
	v13 =	vld [tilespmem:s2+$0x6460];
	v6 =	vadd.f32 v5, v4;
	v5 =	vimm.f32 $0.0e+00;
	v3 =	vimm.f32 $0.0e+00  }
.LBB2_5:
0xa3: {  	p0 =	sne.s32 s1, $0x18E00;
	v15 =	vld [tilespmem:s0+$0x6470];
	v4 =	vadd.f32 v14, v4  }
0xa4: {  	v16 =	vld [tilespmem:s0+$0x6400];
	v8 =	vadd.f32 v12, v8  }
0xa5: {  	v17 =	vld [tilespmem:s0+$0x6410];
	v9 =	vadd.f32 v7, v9  }
.Ltmp1:
0xa6: {  	v14 =	vld [tilespmem:s0+$0x6420];
	v5 =	vadd.f32 v10, v5;
	(pc) =	sbr.rel @p0 .LBB2_5-.Ltmp1, $4  }
0xa7: {  	v12 =	vld [tilespmem:s0+$0x6430];
	v3 =	vadd.f32 v13, v3  }
0xa8: {  	v7 =	vld [tilespmem:s0+$0x6440];
	v2 =	vadd.f32 v15, v2  }
0xa9: {  	v11 =	vadd.f32 v16, v11;
	v10 =	vld [tilespmem:s0+$0x6450]  }
0xaa: {  	v6 =	vadd.f32 v17, v6;
	v13 =	vld [tilespmem:s0+$0x6460];
	s0 =	sshra.s32 s1, $0x2;
	s1 =	sadd.s32 $0x200, s1  }
0xab: {  	v16 =	vld [tilespmem:s0+$0x6400]  }
0xac: {  	v17 =	vld [tilespmem:s0+$0x6410]  }
0xad: {  	v18 =	vld [tilespmem:s0+$0x6420]  }
0xae: {  	v19 =	vld [tilespmem:s0+$0x6430]  }
0xaf: {  	v15 =	vld [tilespmem:s0+$0x6470];
	v4 =	vadd.f32 v14, v4  }
0xb0: {  	s1 =	sshll.u32 s18, $0x8;
	v8 =	vadd.f32 v12, v8;
	v12 =	vld [tilespmem:s0+$0x6460];
	v11 =	vadd.f32 v16, v11  }
0xb1: {  	v20 =	vld [tilespmem:s0+$0x6440];
	s30 =	sand.u32 $0x3FFFFF00, s1;
	v6 =	vadd.f32 v17, v6  }
0xb2: {  	v14 =	vld [tilespmem:s0+$0x6450];
	v4 =	vadd.f32 v18, v4;
	[tilespmem:s30+$0x12C00] =	vst v11  }
0xb3: {  	v3 =	vadd.f32 v13, v3;
	v8 =	vadd.f32 v19, v8;
	[tilespmem:s30+$0x12C10] =	vst v6  }
0xb4: {  	v7 =	vadd.f32 v7, v9;
	v2 =	vadd.f32 v15, v2;
	[tilespmem:s30+$0x12C20] =	vst v4  }
0xb5: {  	p0 =	seq.s32 s18, $0x3F;
	v5 =	vadd.f32 v10, v5;
	v3 =	vadd.f32 v12, v3;
	[tilespmem:s30+$0x12C30] =	vst v8  }
0xb6: {  	s1 =	smul.u32 @!p0 $0x640, s18;
	v6 =	vadd.f32 v20, v7;
	[tilespmem:s30+$0x12C70] =	vst v2  }
0xb7: {  	v4 =	vadd.f32 v14, v5;
	[tilespmem:s30+$0x12C60] =	vst v3  }
0xb8: {  	s1 =	sshra.s32 @!p0 s1, $0x2;
	[tilespmem:s30+$0x12C40] =	vst v6  }
0xb9: {  	s2 =	simm.s32 @!p0 $0x80;
	s3 =	simm.s32 @!p0 $0x6400;
	s0 =	sadd.s32 @!p0 $0x190, s1;
	[tilespmem:s30+$0x12C50] =	vst v4  }
0xba: {  	[tilespmem:s3], [sflag:$0x1] =	stream.indirect.gather @!p0 [hbm4b:s4+s2], $0x80, s0, s2, $0xb8;
	[tilespmem:$0x16C00] =	vst v63  }
0xbb: {  	s0 =	sadd.s32 @!p0 $0x210, s1;
	s1 =	simm.s32 @!p0 $0x48;
	s2 =	simm.s32 @!p0 $0xA400  }
0xbc: {  	[tilespmem:s2], [sflag:$0x1] =	stream.indirect.gather @!p0 [hbm4b:s4+s1], $0x80, s0, s1, $0xb8;
	[tilespmem:$0x16C00] =	vst v63  }
0xbd: {  	_ =	swait.ge [sflag:s10], $0x6400  }
0xbe: {  	[sflag:s10] =	ssyncset.done $0x0  }
0xbf: {  	s31 =	simm.s32 $0x0;
	[sflag:s10] =	ssyncadd.s32 $0xFFFF9C00  }
0xc0: {  	v2 =	vld [tilespmem:s31+$0xC870]  }
0xc1: {  	v3 =	vld [tilespmem:s31+$0xC800]  }
0xc2: {  	v5 =	vld [tilespmem:s31+$0xC810]  }
0xc3: {  	v14 =	vld [tilespmem:s31+$0xC820]  }
0xc4: {  	v12 =	vld [tilespmem:s31+$0xC830]  }
0xc5: {  	v9 =	vimm.f32 $0.0e+00;
	v4 =	vimm.f32 $0.0e+00;
	v7 =	vld [tilespmem:s31+$0xC840]  }
0xc6: {  	v8 =	vimm.f32 $0.0e+00;
	v10 =	vld [tilespmem:s31+$0xC850];
	v2 =	vadd.f32 v2, v4;
	v11 =	vadd.f32 v3, v4  }
0xc7: {  	s0 =	simm.s32 $0x80;
	s1 =	simm.s32 $0x400;
	v13 =	vld [tilespmem:s31+$0xC860];
	v6 =	vadd.f32 v5, v4;
	v5 =	vimm.f32 $0.0e+00;
	v3 =	vimm.f32 $0.0e+00  }
.LBB2_7:
0xc8: {  	p0 =	sne.s32 s1, $0x18E00;
	v15 =	vld [tilespmem:s0+$0xC870];
	v4 =	vadd.f32 v14, v4  }
0xc9: {  	v16 =	vld [tilespmem:s0+$0xC800];
	v8 =	vadd.f32 v12, v8  }
0xca: {  	v17 =	vld [tilespmem:s0+$0xC810];
	v9 =	vadd.f32 v7, v9  }
.Ltmp2:
0xcb: {  	v14 =	vld [tilespmem:s0+$0xC820];
	v5 =	vadd.f32 v10, v5;
	(pc) =	sbr.rel @p0 .LBB2_7-.Ltmp2, $4  }
0xcc: {  	v12 =	vld [tilespmem:s0+$0xC830];
	v3 =	vadd.f32 v13, v3  }
0xcd: {  	v7 =	vld [tilespmem:s0+$0xC840];
	v2 =	vadd.f32 v15, v2  }
0xce: {  	v11 =	vadd.f32 v16, v11;
	v10 =	vld [tilespmem:s0+$0xC850]  }
0xcf: {  	v6 =	vadd.f32 v17, v6;
	v13 =	vld [tilespmem:s0+$0xC860];
	s0 =	sshra.s32 s1, $0x2;
	s1 =	sadd.s32 $0x200, s1  }
0xd0: {  	v16 =	vld [tilespmem:s0+$0xC800]  }
0xd1: {  	v17 =	vld [tilespmem:s0+$0xC810]  }
0xd2: {  	v18 =	vld [tilespmem:s0+$0xC820]  }
0xd3: {  	v19 =	vld [tilespmem:s0+$0xC830]  }
0xd4: {  	v20 =	vld [tilespmem:s0+$0xC840]  }
0xd5: {  	v4 =	vadd.f32 v14, v4;
	v60 =	vld [tilespmem:s0+$0xC850];
	s1 =	sshll.u32 s19, $0x7;
	v11 =	vadd.f32 v16, v11  }
0xd6: {  	v15 =	vld [tilespmem:s0+$0xC870];
	v8 =	vadd.f32 v12, v8;
	s31 =	sand.u32 $0x3FFFFF80, s1;
	v6 =	vadd.f32 v17, v6  }
0xd7: {  	v61 =	vld [tilespmem:s0+$0xC860];
	v7 =	vadd.f32 v7, v9;
	v4 =	vadd.f32 v18, v4;
	[tilespmem:s31+$0x12C00] =	vst v11  }
0xd8: {  	s18 =	sadd.s32 $0x1, s18;
	v5 =	vadd.f32 v10, v5;
	v8 =	vadd.f32 v19, v8;
	[tilespmem:s31+$0x12C10] =	vst v6  }
0xd9: {  	p0 =	sne.s32 s18, $0x40;
	v62 =	vadd.f32 v20, v7;
	[tilespmem:s31+$0x12C20] =	vst v4  }
.Ltmp3:
0xda: {  	v3 =	vadd.f32 v13, v3;
	v63 =	vadd.f32 v60, v5;
	[tilespmem:s31+$0x12C30] =	vst v8;
	(pc) =	sbr.rel @p0 .LBB2_4-.Ltmp3, $4  }
0xdb: {  	v2 =	vadd.f32 v15, v2;
	[tilespmem:s31+$0x12C40] =	vst v62  }
0xdc: {  	v3 =	vadd.f32 v61, v3;
	[tilespmem:s31+$0x12C50] =	vst v63  }
0xdd: {  	[tilespmem:s31+$0x12C70] =	vst v2  }
0xde: {  	[tilespmem:s31+$0x12C60] =	vst v3  }
0xdf: {  	s2 =	simm.s32 $0x0;
	s0 =	rddreg [dreg:$0x7];
	s1 =	simm.s32 $0x12C00  }
0xe0: {  	[hbm4b:s0+s2] =	stream.linear.scatter [tilespmem:s1], [sflag:$0x3], $0x4000, $0x38;
	[tilespmem:$0x16C00] =	vst v63  }
0xe1: {  	s1 =	simm.s32 $0x3  }
0xe2: {  	_ =	swait.ge [sflag:s1], $0x4000  }
0xe3: {  	s3 =	rddreg [dreg:$0x9]  }
0xe4: {  	s31 =	rddreg [dreg:$0x8];
	s3 =	sadd.s32 $0x1, s3  }
0xe5: {  	p0 =	sne.s32 s3, s31  }
.Ltmp4:
0xe6: {  	_ = 	snop;
	(pc) =	sbr.rel @p0 .LBB2_1-.Ltmp4, $3  }
0xe7: {  	_ =	sdelay $0x1  }
0xe8: {  	[sflag:s1] =	ssyncset.done $0x0  }
0xe9: {  	[sflag:s1] =	ssyncadd.s32 $0xFFFFC000  }
0xea: {  	_ =	sfence.sel $0x180000  }
0xeb: {  	[bflag:$0x0] =	sbarrier.arrive $0xFFFF  }
0xec: {  	_ =	strace $0x90000047  }
0xed: {  	s0 =	stileid.u32;
	[bflag:$0x2] =	sbarrier.arrive $0xFFFF  }
0xee: {  	p0 =	sne.s32 s0, $0x0;
	s0 =	rddreg [dreg:$0x3]  }
0xef: {  	s0 =	sadd.s32 @!p0 $0x100000, s0  }
0xf0: {  	[sflag:s0] =	ssyncadd.tile.s32 @!p0 $0x1;
	_ =	shalt  }
.Lfunc_end2:
_tile_overlayer_lowered:
.L_overlay_start_2:
0xf1: {  	(tag) =	ssettag $0x2  }
0xf2: {  	s0 =	rddreg [dreg:$0x0];
	s2 =	stileid.u32  }
0xf3: {  	s1 =	rddreg [dreg:$0x1];
	p0 =	sne.s32 s2, $0x0  }
0xf4: {  	s3 =	rddreg [dreg:$0x2];
	[bflag:$0x3] =	sbarrier.arrive $0xFFFF;
	s2 =	simm.s32 @!p0 $0x1C03  }
0xf5: {  	[timem:s3], [sflag:s2] =	dma.local @!p0 [hbm:s0], s1  }
0xf6: {  	s0 =	simm.s32 @!p0 $0x3  }
0xf7: {  	_ =	swait.ge @!p0 [sflag:s0], s1  }
0xf8: {  	s1 =	ssub.s32 @!p0 $0x0, s1;
	[sflag:s0] =	ssyncset.done @!p0 $0x0  }
0xf9: {  	[sflag:s0] =	ssyncadd.s32 @!p0 s1  }
0xfa: {  	[bflag:$0x3] =	sbarrier.arrive $0xFFFF  }
0xfb: {  	_ =	shalt  }

</sc_bundles>
